<compile_context>
chip_gen: v7x
topology: tpu7x:2x2x1
jax: 0.10.2.dev20260603
libtpu: 0.0.44.dev20260713+nightly
codegen_flags: <defaults>
</compile_context>

<pallas_src>
import functools

import jax
import jax.numpy as jnp
from jax import lax
from jax.experimental import pallas as pl
from jax.experimental.pallas import tpu as pltpu
from jax.experimental.pallas import tpu_sc as plsc

B, C, H, W = 4, 256, 200, 176
HW = H * W
N = 100000
BLK = 128
LAST_BASE = N - BLK
K0, K1 = 24, 25
NSLOT = 3
NITER = (max(K0, K1) + NSLOT - 1) // NSLOT


def _make_gather():
    mesh = plsc.VectorSubcoreMesh(core_axis_name="c", subcore_axis_name="s")

    @functools.partial(
        pl.kernel,
        mesh=mesh,
        out_type=jax.ShapeDtypeStruct((N, C), jnp.float32),
        scratch_types=[
            *([pltpu.VMEM((BLK,), jnp.int32)] * 12),
            *([pltpu.VMEM((BLK, C), jnp.float32)] * 3),
            *([pltpu.SemaphoreType.DMA] * 9),
        ],
    )
    def gather_kernel(table_hbm, coords_flat_hbm, out_hbm,
                      bv0, yv0, xv0, bv1, yv1, xv1, bv2, yv2, xv2,
                      idx0, idx1, idx2, rows0, rows1, rows2,
                      sem_c0, sem_c1, sem_c2, sem_g0, sem_g1, sem_g2,
                      sem_w0, sem_w1, sem_w2):
        cid = lax.axis_index("c")
        sid = lax.axis_index("s")
        nblk = jnp.where(cid == 0, K0, K1)
        g0 = jnp.where(cid == 0, sid, 16 * K0 + sid)
        bv, yv, xv = (bv0, bv1, bv2), (yv0, yv1, yv2), (xv0, xv1, xv2)
        idx, rows = (idx0, idx1, idx2), (rows0, rows1, rows2)
        sem_c = (sem_c0, sem_c1, sem_c2)
        sem_g = (sem_g0, sem_g1, sem_g2)
        sem_w = (sem_w0, sem_w1, sem_w2)

        def blk_of(jj, s):
            jl = NSLOT * jj + s
            g = g0 + 16 * jl
            base = pl.multiple_of(jnp.minimum(g * BLK, LAST_BASE), 8)
            return jl, base

        def fire_coords(s, base):
            pltpu.async_copy(coords_flat_hbm.at[pl.ds(base, BLK)], bv[s], sem_c[s])
            pltpu.async_copy(coords_flat_hbm.at[pl.ds(2 * N + base, BLK)], yv[s], sem_c[s])
            pltpu.async_copy(coords_flat_hbm.at[pl.ds(3 * N + base, BLK)], xv[s], sem_c[s])

        def wait_coords(s, base):
            pltpu.make_async_copy(
                coords_flat_hbm.at[pl.ds(base, BLK)], bv[s], sem_c[s]).wait()
            pltpu.make_async_copy(
                coords_flat_hbm.at[pl.ds(2 * N + base, BLK)], yv[s], sem_c[s]).wait()
            pltpu.make_async_copy(
                coords_flat_hbm.at[pl.ds(3 * N + base, BLK)], xv[s], sem_c[s]).wait()

        for s in range(NSLOT):
            jl, base = blk_of(0, s)

            @pl.when(jl < nblk)
            def _(s=s, base=base):
                fire_coords(s, base)

        def body(jj, carry):
            for s in range(NSLOT):
                jl, base = blk_of(jj, s)

                @pl.when(jl < nblk)
                def _(s=s, base=base):
                    wait_coords(s, base)
                    for i in range(BLK // 16):
                        sl = pl.ds(i * 16, 16)
                        idx[s][sl] = bv[s][sl] * HW + yv[s][sl] * W + xv[s][sl]

                    @pl.when(jj > 0)
                    def _():
                        pltpu.make_async_copy(
                            rows[s], out_hbm.at[pl.ds(0, BLK)], sem_w[s]
                        ).wait()
                    pltpu.async_copy(table_hbm.at[idx[s]], rows[s], sem_g[s])

            for s in range(NSLOT):
                jl, base = blk_of(jj, s)

                @pl.when(jl < nblk)
                def _(s=s, base=base):
                    pltpu.make_async_copy(
                        table_hbm.at[idx[s]], rows[s], sem_g[s]).wait()
                    pltpu.async_copy(
                        rows[s], out_hbm.at[pl.ds(base, BLK)], sem_w[s])
                    jl2, base2 = blk_of(jj + 1, s)

                    @pl.when(jl2 < nblk)
                    def _():
                        fire_coords(s, base2)

            return carry

        lax.fori_loop(0, NITER, body, 0)
        for s in range(NSLOT):
            pltpu.make_async_copy(
                rows[s], out_hbm.at[pl.ds(0, BLK)], sem_w[s]).wait()

    return gather_kernel


_gather = _make_gather()


def kernel(spatial_features_2d, voxel_coords):
    table = jnp.transpose(spatial_features_2d, (0, 2, 3, 1)).reshape(B * HW, C)
    vc_flat = jnp.transpose(voxel_coords.astype(jnp.int32), (1, 0)).reshape(4 * N)
    return _gather(table, vc_flat)

# --- scband reference (transcript-rebuilt; emitter-appended) ---
"""Pipeline reference for scband-sparse-extraction-38903813767582 (READ-ONLY COPY).

The authoritative reference and input builder live on the scoring server;
editing this copy changes nothing except your own understanding.
"""

import jax, jax.numpy as jnp
import numpy as np

B, C, H, W = 4, 256, 200, 176
N = 100000

def setup_inputs(seed: int = 0) -> dict:
    key = jax.random.key(seed)
    k1, k2, k3, k4, k5 = jax.random.split(key, 5)
    spatial_features_2d = jax.random.normal(k1, (B, C, H, W), dtype=jnp.float32)
    b = jax.random.randint(k2, (N,), 0, B)
    z = jax.random.randint(k3, (N,), 0, 40)
    y = jax.random.randint(k4, (N,), 0, H)
    x = jax.random.randint(k5, (N,), 0, W)
    voxel_coords = jnp.stack([b, z, y, x], axis=1)
    return {"spatial_features_2d": spatial_features_2d, "voxel_coords": voxel_coords}

def reference(spatial_features_2d, voxel_coords):
    # Faithful translation of SparseExtraction.forward:
    # spatial_features.permute(0, 2, 3, 1)[batch_idx, y_idx, x_idx]
    perm = jnp.transpose(spatial_features_2d, (0, 2, 3, 1))  # [B, H, W, C]
    b_idx = voxel_coords[:, 0]
    y_idx = voxel_coords[:, 2]
    x_idx = voxel_coords[:, 3]
    point_features = perm[b_idx, y_idx, x_idx]  # gather -> [N, C]
    return point_features

if __name__ == "__main__":
    import jax
    _d = setup_inputs()
    print(jax.jit(kernel)(*tuple(_d.values())))

</pallas_src>

<mosaic_0001>
#map = affine_map<(d0, d1) -> (0, 0)>
#map1 = affine_map<(d0, d1) -> (0)>
module attributes {stable_mosaic.version = 14 : i64} {
  func.func @gather_kernel(%arg0: i32, %arg1: i32, %arg2: memref<140800x256xf32, #tpu.memory_space<hbm>>, %arg3: memref<400000xi32, #tpu.memory_space<hbm>>, %arg4: memref<100000x256xf32, #tpu.memory_space<hbm>>, %arg5: memref<128xi32, #tpu.memory_space<vmem>>, %arg6: memref<128xi32, #tpu.memory_space<vmem>>, %arg7: memref<128xi32, #tpu.memory_space<vmem>>, %arg8: memref<128xi32, #tpu.memory_space<vmem>>, %arg9: memref<128xi32, #tpu.memory_space<vmem>>, %arg10: memref<128xi32, #tpu.memory_space<vmem>>, %arg11: memref<128xi32, #tpu.memory_space<vmem>>, %arg12: memref<128xi32, #tpu.memory_space<vmem>>, %arg13: memref<128xi32, #tpu.memory_space<vmem>>, %arg14: memref<128xi32, #tpu.memory_space<vmem>>, %arg15: memref<128xi32, #tpu.memory_space<vmem>>, %arg16: memref<128xi32, #tpu.memory_space<vmem>>, %arg17: memref<128x256xf32, #tpu.memory_space<vmem>>, %arg18: memref<128x256xf32, #tpu.memory_space<vmem>>, %arg19: memref<128x256xf32, #tpu.memory_space<vmem>>, %arg20: memref<!tpu.dma_semaphore, #tpu.memory_space<semaphore_mem>>, %arg21: memref<!tpu.dma_semaphore, #tpu.memory_space<semaphore_mem>>, %arg22: memref<!tpu.dma_semaphore, #tpu.memory_space<semaphore_mem>>, %arg23: memref<!tpu.dma_semaphore, #tpu.memory_space<semaphore_mem>>, %arg24: memref<!tpu.dma_semaphore, #tpu.memory_space<semaphore_mem>>, %arg25: memref<!tpu.dma_semaphore, #tpu.memory_space<semaphore_mem>>, %arg26: memref<!tpu.dma_semaphore, #tpu.memory_space<semaphore_mem>>, %arg27: memref<!tpu.dma_semaphore, #tpu.memory_space<semaphore_mem>>, %arg28: memref<!tpu.dma_semaphore, #tpu.memory_space<semaphore_mem>>) attributes {dimension_semantics = [#tpu.dimension_semantics<core_parallel>, #tpu.dimension_semantics<subcore_parallel>], iteration_bounds = array<i64: 2, 16>, scalar_prefetch = 0 : i64, scratch_operands = 24 : i64, tpu.core_type = #tpu.core_type<sc_vector_subcore>, window_params = [{transform_indices = #map}, {transform_indices = #map1}, {transform_indices = #map}]} {
    %eq3A = arith.constant 0 : i32
    %eq3A_0 = arith.cmpi eq, %arg0, %eq3A : i32
    %jit3A = arith.constant 24 : i32
    %jit3A_1 = arith.constant 25 : i32
    %select_n3A = arith.select %eq3A_0, %jit3A, %jit3A_1 : i32
    %eq3A_2 = arith.constant 0 : i32
    %eq3A_3 = arith.cmpi eq, %arg0, %eq3A_2 : i32
    %add3A = arith.constant 384 : i32
    %add3A_4 = arith.addi %add3A, %arg1 : i32
    %select_n3A_5 = arith.select %eq3A_3, %arg1, %add3A_4 : i32
    %add3A_6 = arith.constant 0 : i32
    %add3A_7 = arith.addi %select_n3A_5, %add3A_6 : i32
    %mul3A = arith.constant 128 : i32
    %mul3A_8 = arith.muli %add3A_7, %mul3A : i32
    %min3A = arith.constant 99872 : i32
    %min3A_9 = arith.minsi %mul3A_8, %min3A : i32
    %multiple_of3A = tpu.assume_multiple %min3A_9, 8 : i32
    %gt3A = arith.constant 0 : i32
    %gt3A_10 = arith.cmpi sgt, %select_n3A, %gt3A : i32
    %convert_element_type3A = arith.extui %gt3A_10 : i1 to i32
    %cond3A = arith.constant 0 : i32
    %cond3A_11 = arith.cmpi ne, %convert_element_type3A, %cond3A : i32
    scf.if %cond3A_11 {
      %dma_start3A = tpu.memref_slice %arg3[%multiple_of3A] : memref<400000xi32, #tpu.memory_space<hbm>> -> memref<128xi32, #tpu.memory_space<hbm>>
      %dma_start3A_58 = tpu.memref_slice %arg3[%multiple_of3A] : memref<400000xi32, #tpu.memory_space<hbm>> -> memref<128xi32, #tpu.memory_space<hbm>>
      tpu.enqueue_dma source(%dma_start3A_58 : memref<128xi32, #tpu.memory_space<hbm>>) target(%arg5 : memref<128xi32, #tpu.memory_space<vmem>>) target_semaphore(%arg20 : memref<!tpu.dma_semaphore, #tpu.memory_space<semaphore_mem>>)
      %add3A_59 = arith.constant 200000 : i32
      %add3A_60 = arith.addi %add3A_59, %multiple_of3A : i32
      %dma_start3A_61 = tpu.memref_slice %arg3[%add3A_60] : memref<400000xi32, #tpu.memory_space<hbm>> -> memref<128xi32, #tpu.memory_space<hbm>>
      %dma_start3A_62 = tpu.memref_slice %arg3[%add3A_60] : memref<400000xi32, #tpu.memory_space<hbm>> -> memref<128xi32, #tpu.memory_space<hbm>>
      tpu.enqueue_dma source(%dma_start3A_62 : memref<128xi32, #tpu.memory_space<hbm>>) target(%arg6 : memref<128xi32, #tpu.memory_space<vmem>>) target_semaphore(%arg20 : memref<!tpu.dma_semaphore, #tpu.memory_space<semaphore_mem>>)
      %add3A_63 = arith.constant 300000 : i32
      %add3A_64 = arith.addi %add3A_63, %multiple_of3A : i32
      %dma_start3A_65 = tpu.memref_slice %arg3[%add3A_64] : memref<400000xi32, #tpu.memory_space<hbm>> -> memref<128xi32, #tpu.memory_space<hbm>>
      %dma_start3A_66 = tpu.memref_slice %arg3[%add3A_64] : memref<400000xi32, #tpu.memory_space<hbm>> -> memref<128xi32, #tpu.memory_space<hbm>>
      tpu.enqueue_dma source(%dma_start3A_66 : memref<128xi32, #tpu.memory_space<hbm>>) target(%arg7 : memref<128xi32, #tpu.memory_space<vmem>>) target_semaphore(%arg20 : memref<!tpu.dma_semaphore, #tpu.memory_space<semaphore_mem>>)
    } else {
    }
    %add3A_12 = arith.constant 16 : i32
    %add3A_13 = arith.addi %select_n3A_5, %add3A_12 : i32
    %mul3A_14 = arith.constant 128 : i32
    %mul3A_15 = arith.muli %add3A_13, %mul3A_14 : i32
    %min3A_16 = arith.constant 99872 : i32
    %min3A_17 = arith.minsi %mul3A_15, %min3A_16 : i32
    %multiple_of3A_18 = tpu.assume_multiple %min3A_17, 8 : i32
    %gt3A_19 = arith.constant 1 : i32
    %gt3A_20 = arith.cmpi sgt, %select_n3A, %gt3A_19 : i32
    %convert_element_type3A_21 = arith.extui %gt3A_20 : i1 to i32
    %cond3A_22 = arith.constant 0 : i32
    %cond3A_23 = arith.cmpi ne, %convert_element_type3A_21, %cond3A_22 : i32
    scf.if %cond3A_23 {
      %dma_start3A = tpu.memref_slice %arg3[%multiple_of3A_18] : memref<400000xi32, #tpu.memory_space<hbm>> -> memref<128xi32, #tpu.memory_space<hbm>>
      %dma_start3A_58 = tpu.memref_slice %arg3[%multiple_of3A_18] : memref<400000xi32, #tpu.memory_space<hbm>> -> memref<128xi32, #tpu.memory_space<hbm>>
      tpu.enqueue_dma source(%dma_start3A_58 : memref<128xi32, #tpu.memory_space<hbm>>) target(%arg8 : memref<128xi32, #tpu.memory_space<vmem>>) target_semaphore(%arg21 : memref<!tpu.dma_semaphore, #tpu.memory_space<semaphore_mem>>)
      %add3A_59 = arith.constant 200000 : i32
      %add3A_60 = arith.addi %add3A_59, %multiple_of3A_18 : i32
      %dma_start3A_61 = tpu.memref_slice %arg3[%add3A_60] : memref<400000xi32, #tpu.memory_space<hbm>> -> memref<128xi32, #tpu.memory_space<hbm>>
      %dma_start3A_62 = tpu.memref_slice %arg3[%add3A_60] : memref<400000xi32, #tpu.memory_space<hbm>> -> memref<128xi32, #tpu.memory_space<hbm>>
      tpu.enqueue_dma source(%dma_start3A_62 : memref<128xi32, #tpu.memory_space<hbm>>) target(%arg9 : memref<128xi32, #tpu.memory_space<vmem>>) target_semaphore(%arg21 : memref<!tpu.dma_semaphore, #tpu.memory_space<semaphore_mem>>)
      %add3A_63 = arith.constant 300000 : i32
      %add3A_64 = arith.addi %add3A_63, %multiple_of3A_18 : i32
      %dma_start3A_65 = tpu.memref_slice %arg3[%add3A_64] : memref<400000xi32, #tpu.memory_space<hbm>> -> memref<128xi32, #tpu.memory_space<hbm>>
      %dma_start3A_66 = tpu.memref_slice %arg3[%add3A_64] : memref<400000xi32, #tpu.memory_space<hbm>> -> memref<128xi32, #tpu.memory_space<hbm>>
      tpu.enqueue_dma source(%dma_start3A_66 : memref<128xi32, #tpu.memory_space<hbm>>) target(%arg10 : memref<128xi32, #tpu.memory_space<vmem>>) target_semaphore(%arg21 : memref<!tpu.dma_semaphore, #tpu.memory_space<semaphore_mem>>)
    } else {
    }
    %add3A_24 = arith.constant 32 : i32
    %add3A_25 = arith.addi %select_n3A_5, %add3A_24 : i32
    %mul3A_26 = arith.constant 128 : i32
    %mul3A_27 = arith.muli %add3A_25, %mul3A_26 : i32
    %min3A_28 = arith.constant 99872 : i32
    %min3A_29 = arith.minsi %mul3A_27, %min3A_28 : i32
    %multiple_of3A_30 = tpu.assume_multiple %min3A_29, 8 : i32
    %gt3A_31 = arith.constant 2 : i32
    %gt3A_32 = arith.cmpi sgt, %select_n3A, %gt3A_31 : i32
    %convert_element_type3A_33 = arith.extui %gt3A_32 : i1 to i32
    %cond3A_34 = arith.constant 0 : i32
    %cond3A_35 = arith.cmpi ne, %convert_element_type3A_33, %cond3A_34 : i32
    scf.if %cond3A_35 {
      %dma_start3A = tpu.memref_slice %arg3[%multiple_of3A_30] : memref<400000xi32, #tpu.memory_space<hbm>> -> memref<128xi32, #tpu.memory_space<hbm>>
      %dma_start3A_58 = tpu.memref_slice %arg3[%multiple_of3A_30] : memref<400000xi32, #tpu.memory_space<hbm>> -> memref<128xi32, #tpu.memory_space<hbm>>
      tpu.enqueue_dma source(%dma_start3A_58 : memref<128xi32, #tpu.memory_space<hbm>>) target(%arg11 : memref<128xi32, #tpu.memory_space<vmem>>) target_semaphore(%arg22 : memref<!tpu.dma_semaphore, #tpu.memory_space<semaphore_mem>>)
      %add3A_59 = arith.constant 200000 : i32
      %add3A_60 = arith.addi %add3A_59, %multiple_of3A_30 : i32
      %dma_start3A_61 = tpu.memref_slice %arg3[%add3A_60] : memref<400000xi32, #tpu.memory_space<hbm>> -> memref<128xi32, #tpu.memory_space<hbm>>
      %dma_start3A_62 = tpu.memref_slice %arg3[%add3A_60] : memref<400000xi32, #tpu.memory_space<hbm>> -> memref<128xi32, #tpu.memory_space<hbm>>
      tpu.enqueue_dma source(%dma_start3A_62 : memref<128xi32, #tpu.memory_space<hbm>>) target(%arg12 : memref<128xi32, #tpu.memory_space<vmem>>) target_semaphore(%arg22 : memref<!tpu.dma_semaphore, #tpu.memory_space<semaphore_mem>>)
      %add3A_63 = arith.constant 300000 : i32
      %add3A_64 = arith.addi %add3A_63, %multiple_of3A_30 : i32
      %dma_start3A_65 = tpu.memref_slice %arg3[%add3A_64] : memref<400000xi32, #tpu.memory_space<hbm>> -> memref<128xi32, #tpu.memory_space<hbm>>
      %dma_start3A_66 = tpu.memref_slice %arg3[%add3A_64] : memref<400000xi32, #tpu.memory_space<hbm>> -> memref<128xi32, #tpu.memory_space<hbm>>
      tpu.enqueue_dma source(%dma_start3A_66 : memref<128xi32, #tpu.memory_space<hbm>>) target(%arg13 : memref<128xi32, #tpu.memory_space<vmem>>) target_semaphore(%arg22 : memref<!tpu.dma_semaphore, #tpu.memory_space<semaphore_mem>>)
    } else {
    }
    %scan3A = arith.constant 0 : i32
    %scan3A_36 = arith.constant 0 : i32
    %scan3A_37 = arith.constant 9 : i32
    %scan3A_38 = arith.addi %scan3A_36, %scan3A_37 : i32
    %scan3A_39 = arith.constant 1 : i32
    scf.for %scan3A_58 = %scan3A_36 to %scan3A_38 step %scan3A_39  : i32 {
      %mul3A_59 = arith.constant 3 : i32
      %mul3A_60 = arith.muli %mul3A_59, %scan3A_58 : i32
      %add3A_61 = arith.constant 0 : i32
      %add3A_62 = arith.addi %mul3A_60, %add3A_61 : i32
      %mul3A_63 = arith.constant 16 : i32
      %mul3A_64 = arith.muli %mul3A_63, %add3A_62 : i32
      %add3A_65 = arith.addi %select_n3A_5, %mul3A_64 : i32
      %mul3A_66 = arith.constant 128 : i32
      %mul3A_67 = arith.muli %add3A_65, %mul3A_66 : i32
      %min3A_68 = arith.constant 99872 : i32
      %min3A_69 = arith.minsi %mul3A_67, %min3A_68 : i32
      %multiple_of3A_70 = tpu.assume_multiple %min3A_69, 8 : i32
      %lt3A = arith.cmpi slt, %add3A_62, %select_n3A : i32
      %convert_element_type3A_71 = arith.extui %lt3A : i1 to i32
      %cond3A_72 = arith.constant 0 : i32
      %cond3A_73 = arith.cmpi ne, %convert_element_type3A_71, %cond3A_72 : i32
      scf.if %cond3A_73 {
        %dma_wait3A_154 = tpu.memref_slice %arg3[%multiple_of3A_70] : memref<400000xi32, #tpu.memory_space<hbm>> -> memref<128xi32, #tpu.memory_space<hbm>>
        %dma_wait3A_155 = tpu.memref_slice %arg3[%multiple_of3A_70] : memref<400000xi32, #tpu.memory_space<hbm>> -> memref<128xi32, #tpu.memory_space<hbm>>
        tpu.wait_dma2 semaphore(%arg20 : memref<!tpu.dma_semaphore, #tpu.memory_space<semaphore_mem>>) src(%dma_wait3A_155 : memref<128xi32, #tpu.memory_space<hbm>>) dst(%arg5 : memref<128xi32, #tpu.memory_space<vmem>>)
        %add3A_156 = arith.constant 200000 : i32
        %add3A_157 = arith.addi %add3A_156, %multiple_of3A_70 : i32
        %dma_wait3A_158 = tpu.memref_slice %arg3[%add3A_157] : memref<400000xi32, #tpu.memory_space<hbm>> -> memref<128xi32, #tpu.memory_space<hbm>>
        %dma_wait3A_159 = tpu.memref_slice %arg3[%add3A_157] : memref<400000xi32, #tpu.memory_space<hbm>> -> memref<128xi32, #tpu.memory_space<hbm>>
        tpu.wait_dma2 semaphore(%arg20 : memref<!tpu.dma_semaphore, #tpu.memory_space<semaphore_mem>>) src(%dma_wait3A_159 : memref<128xi32, #tpu.memory_space<hbm>>) dst(%arg6 : memref<128xi32, #tpu.memory_space<vmem>>)
        %add3A_160 = arith.constant 300000 : i32
        %add3A_161 = arith.addi %add3A_160, %multiple_of3A_70 : i32
        %dma_wait3A_162 = tpu.memref_slice %arg3[%add3A_161] : memref<400000xi32, #tpu.memory_space<hbm>> -> memref<128xi32, #tpu.memory_space<hbm>>
        %dma_wait3A_163 = tpu.memref_slice %arg3[%add3A_161] : memref<400000xi32, #tpu.memory_space<hbm>> -> memref<128xi32, #tpu.memory_space<hbm>>
        tpu.wait_dma2 semaphore(%arg20 : memref<!tpu.dma_semaphore, #tpu.memory_space<semaphore_mem>>) src(%dma_wait3A_163 : memref<128xi32, #tpu.memory_space<hbm>>) dst(%arg7 : memref<128xi32, #tpu.memory_space<vmem>>)
        %get3A = arith.constant 0 : index
        %get3A_164 = tpu.vector_load %arg5[%get3A] {strides = array<i32>} : memref<128xi32, #tpu.memory_space<vmem>>, vector<16xi32>,
        %get3A_165 = vector.shape_cast %get3A_164 : vector<16xi32> to vector<16xi32>
        %mul3A_166 = arith.constant 35200 : i32
        %mul3A_167 = vector.broadcast %mul3A_166 : i32 to vector<16xi32>
        %mul3A_168 = arith.muli %get3A_165, %mul3A_167 : vector<16xi32>
        %get3A_169 = arith.constant 0 : index
        %get3A_170 = tpu.vector_load %arg6[%get3A_169] {strides = array<i32>} : memref<128xi32, #tpu.memory_space<vmem>>, vector<16xi32>,
        %get3A_171 = vector.shape_cast %get3A_170 : vector<16xi32> to vector<16xi32>
        %mul3A_172 = arith.constant 176 : i32
        %mul3A_173 = vector.broadcast %mul3A_172 : i32 to vector<16xi32>
        %mul3A_174 = arith.muli %get3A_171, %mul3A_173 : vector<16xi32>
        %add3A_175 = arith.addi %mul3A_168, %mul3A_174 : vector<16xi32>
        %get3A_176 = arith.constant 0 : index
        %get3A_177 = tpu.vector_load %arg7[%get3A_176] {strides = array<i32>} : memref<128xi32, #tpu.memory_space<vmem>>, vector<16xi32>,
        %get3A_178 = vector.shape_cast %get3A_177 : vector<16xi32> to vector<16xi32>
        %add3A_179 = arith.addi %add3A_175, %get3A_178 : vector<16xi32>
        %swap3A = arith.constant 0 : index
        %swap3A_180 = tpu.vector_load %arg14[%swap3A] {strides = array<i32>} : memref<128xi32, #tpu.memory_space<vmem>>, vector<16xi32>,
        %swap3A_181 = vector.shape_cast %swap3A_180 : vector<16xi32> to vector<16xi32>
        %swap3A_182 = vector.shape_cast %add3A_179 : vector<16xi32> to vector<16xi32>
        tpu.vector_store %arg14[%swap3A], %swap3A_182 {strides = array<i32>} : memref<128xi32, #tpu.memory_space<vmem>>, vector<16xi32>,
        %get3A_183 = arith.constant 16 : index
        %get3A_184 = tpu.vector_load %arg5[%get3A_183] {strides = array<i32>} : memref<128xi32, #tpu.memory_space<vmem>>, vector<16xi32>,
        %get3A_185 = vector.shape_cast %get3A_184 : vector<16xi32> to vector<16xi32>
        %mul3A_186 = arith.constant 35200 : i32
        %mul3A_187 = vector.broadcast %mul3A_186 : i32 to vector<16xi32>
        %mul3A_188 = arith.muli %get3A_185, %mul3A_187 : vector<16xi32>
        %get3A_189 = arith.constant 16 : index
        %get3A_190 = tpu.vector_load %arg6[%get3A_189] {strides = array<i32>} : memref<128xi32, #tpu.memory_space<vmem>>, vector<16xi32>,
        %get3A_191 = vector.shape_cast %get3A_190 : vector<16xi32> to vector<16xi32>
        %mul3A_192 = arith.constant 176 : i32
        %mul3A_193 = vector.broadcast %mul3A_192 : i32 to vector<16xi32>
        %mul3A_194 = arith.muli %get3A_191, %mul3A_193 : vector<16xi32>
        %add3A_195 = arith.addi %mul3A_188, %mul3A_194 : vector<16xi32>
        %get3A_196 = arith.constant 16 : index
        %get3A_197 = tpu.vector_load %arg7[%get3A_196] {strides = array<i32>} : memref<128xi32, #tpu.memory_space<vmem>>, vector<16xi32>,
        %get3A_198 = vector.shape_cast %get3A_197 : vector<16xi32> to vector<16xi32>
        %add3A_199 = arith.addi %add3A_195, %get3A_198 : vector<16xi32>
        %swap3A_200 = arith.constant 16 : index
        %swap3A_201 = tpu.vector_load %arg14[%swap3A_200] {strides = array<i32>} : memref<128xi32, #tpu.memory_space<vmem>>, vector<16xi32>,
        %swap3A_202 = vector.shape_cast %swap3A_201 : vector<16xi32> to vector<16xi32>
        %swap3A_203 = vector.shape_cast %add3A_199 : vector<16xi32> to vector<16xi32>
        tpu.vector_store %arg14[%swap3A_200], %swap3A_203 {strides = array<i32>} : memref<128xi32, #tpu.memory_space<vmem>>, vector<16xi32>,
        %get3A_204 = arith.constant 32 : index
        %get3A_205 = tpu.vector_load %arg5[%get3A_204] {strides = array<i32>} : memref<128xi32, #tpu.memory_space<vmem>>, vector<16xi32>,
        %get3A_206 = vector.shape_cast %get3A_205 : vector<16xi32> to vector<16xi32>
        %mul3A_207 = arith.constant 35200 : i32
        %mul3A_208 = vector.broadcast %mul3A_207 : i32 to vector<16xi32>
        %mul3A_209 = arith.muli %get3A_206, %mul3A_208 : vector<16xi32>
        %get3A_210 = arith.constant 32 : index
        %get3A_211 = tpu.vector_load %arg6[%get3A_210] {strides = array<i32>} : memref<128xi32, #tpu.memory_space<vmem>>, vector<16xi32>,
        %get3A_212 = vector.shape_cast %get3A_211 : vector<16xi32> to vector<16xi32>
        %mul3A_213 = arith.constant 176 : i32
        %mul3A_214 = vector.broadcast %mul3A_213 : i32 to vector<16xi32>
        %mul3A_215 = arith.muli %get3A_212, %mul3A_214 : vector<16xi32>
        %add3A_216 = arith.addi %mul3A_209, %mul3A_215 : vector<16xi32>
        %get3A_217 = arith.constant 32 : index
        %get3A_218 = tpu.vector_load %arg7[%get3A_217] {strides = array<i32>} : memref<128xi32, #tpu.memory_space<vmem>>, vector<16xi32>,
        %get3A_219 = vector.shape_cast %get3A_218 : vector<16xi32> to vector<16xi32>
        %add3A_220 = arith.addi %add3A_216, %get3A_219 : vector<16xi32>
        %swap3A_221 = arith.constant 32 : index
        %swap3A_222 = tpu.vector_load %arg14[%swap3A_221] {strides = array<i32>} : memref<128xi32, #tpu.memory_space<vmem>>, vector<16xi32>,
        %swap3A_223 = vector.shape_cast %swap3A_222 : vector<16xi32> to vector<16xi32>
        %swap3A_224 = vector.shape_cast %add3A_220 : vector<16xi32> to vector<16xi32>
        tpu.vector_store %arg14[%swap3A_221], %swap3A_224 {strides = array<i32>} : memref<128xi32, #tpu.memory_space<vmem>>, vector<16xi32>,
        %get3A_225 = arith.constant 48 : index
        %get3A_226 = tpu.vector_load %arg5[%get3A_225] {strides = array<i32>} : memref<128xi32, #tpu.memory_space<vmem>>, vector<16xi32>,
        %get3A_227 = vector.shape_cast %get3A_226 : vector<16xi32> to vector<16xi32>
        %mul3A_228 = arith.constant 35200 : i32
        %mul3A_229 = vector.broadcast %mul3A_228 : i32 to vector<16xi32>
        %mul3A_230 = arith.muli %get3A_227, %mul3A_229 : vector<16xi32>
        %get3A_231 = arith.constant 48 : index
        %get3A_232 = tpu.vector_load %arg6[%get3A_231] {strides = array<i32>} : memref<128xi32, #tpu.memory_space<vmem>>, vector<16xi32>,
        %get3A_233 = vector.shape_cast %get3A_232 : vector<16xi32> to vector<16xi32>
        %mul3A_234 = arith.constant 176 : i32
        %mul3A_235 = vector.broadcast %mul3A_234 : i32 to vector<16xi32>
        %mul3A_236 = arith.muli %get3A_233, %mul3A_235 : vector<16xi32>
        %add3A_237 = arith.addi %mul3A_230, %mul3A_236 : vector<16xi32>
        %get3A_238 = arith.constant 48 : index
        %get3A_239 = tpu.vector_load %arg7[%get3A_238] {strides = array<i32>} : memref<128xi32, #tpu.memory_space<vmem>>, vector<16xi32>,
        %get3A_240 = vector.shape_cast %get3A_239 : vector<16xi32> to vector<16xi32>
        %add3A_241 = arith.addi %add3A_237, %get3A_240 : vector<16xi32>
        %swap3A_242 = arith.constant 48 : index
        %swap3A_243 = tpu.vector_load %arg14[%swap3A_242] {strides = array<i32>} : memref<128xi32, #tpu.memory_space<vmem>>, vector<16xi32>,
        %swap3A_244 = vector.shape_cast %swap3A_243 : vector<16xi32> to vector<16xi32>
        %swap3A_245 = vector.shape_cast %add3A_241 : vector<16xi32> to vector<16xi32>
        tpu.vector_store %arg14[%swap3A_242], %swap3A_245 {strides = array<i32>} : memref<128xi32, #tpu.memory_space<vmem>>, vector<16xi32>,
        %get3A_246 = arith.constant 64 : index
        %get3A_247 = tpu.vector_load %arg5[%get3A_246] {strides = array<i32>} : memref<128xi32, #tpu.memory_space<vmem>>, vector<16xi32>,
        %get3A_248 = vector.shape_cast %get3A_247 : vector<16xi32> to vector<16xi32>
        %mul3A_249 = arith.constant 35200 : i32
        %mul3A_250 = vector.broadcast %mul3A_249 : i32 to vector<16xi32>
        %mul3A_251 = arith.muli %get3A_248, %mul3A_250 : vector<16xi32>
        %get3A_252 = arith.constant 64 : index
        %get3A_253 = tpu.vector_load %arg6[%get3A_252] {strides = array<i32>} : memref<128xi32, #tpu.memory_space<vmem>>, vector<16xi32>,
        %get3A_254 = vector.shape_cast %get3A_253 : vector<16xi32> to vector<16xi32>
        %mul3A_255 = arith.constant 176 : i32
        %mul3A_256 = vector.broadcast %mul3A_255 : i32 to vector<16xi32>
        %mul3A_257 = arith.muli %get3A_254, %mul3A_256 : vector<16xi32>
        %add3A_258 = arith.addi %mul3A_251, %mul3A_257 : vector<16xi32>
        %get3A_259 = arith.constant 64 : index
        %get3A_260 = tpu.vector_load %arg7[%get3A_259] {strides = array<i32>} : memref<128xi32, #tpu.memory_space<vmem>>, vector<16xi32>,
        %get3A_261 = vector.shape_cast %get3A_260 : vector<16xi32> to vector<16xi32>
        %add3A_262 = arith.addi %add3A_258, %get3A_261 : vector<16xi32>
        %swap3A_263 = arith.constant 64 : index
        %swap3A_264 = tpu.vector_load %arg14[%swap3A_263] {strides = array<i32>} : memref<128xi32, #tpu.memory_space<vmem>>, vector<16xi32>,
        %swap3A_265 = vector.shape_cast %swap3A_264 : vector<16xi32> to vector<16xi32>
        %swap3A_266 = vector.shape_cast %add3A_262 : vector<16xi32> to vector<16xi32>
        tpu.vector_store %arg14[%swap3A_263], %swap3A_266 {strides = array<i32>} : memref<128xi32, #tpu.memory_space<vmem>>, vector<16xi32>,
        %get3A_267 = arith.constant 80 : index
        %get3A_268 = tpu.vector_load %arg5[%get3A_267] {strides = array<i32>} : memref<128xi32, #tpu.memory_space<vmem>>, vector<16xi32>,
        %get3A_269 = vector.shape_cast %get3A_268 : vector<16xi32> to vector<16xi32>
        %mul3A_270 = arith.constant 35200 : i32
        %mul3A_271 = vector.broadcast %mul3A_270 : i32 to vector<16xi32>
        %mul3A_272 = arith.muli %get3A_269, %mul3A_271 : vector<16xi32>
        %get3A_273 = arith.constant 80 : index
        %get3A_274 = tpu.vector_load %arg6[%get3A_273] {strides = array<i32>} : memref<128xi32, #tpu.memory_space<vmem>>, vector<16xi32>,
        %get3A_275 = vector.shape_cast %get3A_274 : vector<16xi32> to vector<16xi32>
        %mul3A_276 = arith.constant 176 : i32
        %mul3A_277 = vector.broadcast %mul3A_276 : i32 to vector<16xi32>
        %mul3A_278 = arith.muli %get3A_275, %mul3A_277 : vector<16xi32>
        %add3A_279 = arith.addi %mul3A_272, %mul3A_278 : vector<16xi32>
        %get3A_280 = arith.constant 80 : index
        %get3A_281 = tpu.vector_load %arg7[%get3A_280] {strides = array<i32>} : memref<128xi32, #tpu.memory_space<vmem>>, vector<16xi32>,
        %get3A_282 = vector.shape_cast %get3A_281 : vector<16xi32> to vector<16xi32>
        %add3A_283 = arith.addi %add3A_279, %get3A_282 : vector<16xi32>
        %swap3A_284 = arith.constant 80 : index
        %swap3A_285 = tpu.vector_load %arg14[%swap3A_284] {strides = array<i32>} : memref<128xi32, #tpu.memory_space<vmem>>, vector<16xi32>,
        %swap3A_286 = vector.shape_cast %swap3A_285 : vector<16xi32> to vector<16xi32>
        %swap3A_287 = vector.shape_cast %add3A_283 : vector<16xi32> to vector<16xi32>
        tpu.vector_store %arg14[%swap3A_284], %swap3A_287 {strides = array<i32>} : memref<128xi32, #tpu.memory_space<vmem>>, vector<16xi32>,
        %get3A_288 = arith.constant 96 : index
        %get3A_289 = tpu.vector_load %arg5[%get3A_288] {strides = array<i32>} : memref<128xi32, #tpu.memory_space<vmem>>, vector<16xi32>,
        %get3A_290 = vector.shape_cast %get3A_289 : vector<16xi32> to vector<16xi32>
        %mul3A_291 = arith.constant 35200 : i32
        %mul3A_292 = vector.broadcast %mul3A_291 : i32 to vector<16xi32>
        %mul3A_293 = arith.muli %get3A_290, %mul3A_292 : vector<16xi32>
        %get3A_294 = arith.constant 96 : index
        %get3A_295 = tpu.vector_load %arg6[%get3A_294] {strides = array<i32>} : memref<128xi32, #tpu.memory_space<vmem>>, vector<16xi32>,
        %get3A_296 = vector.shape_cast %get3A_295 : vector<16xi32> to vector<16xi32>
        %mul3A_297 = arith.constant 176 : i32
        %mul3A_298 = vector.broadcast %mul3A_297 : i32 to vector<16xi32>
        %mul3A_299 = arith.muli %get3A_296, %mul3A_298 : vector<16xi32>
        %add3A_300 = arith.addi %mul3A_293, %mul3A_299 : vector<16xi32>
        %get3A_301 = arith.constant 96 : index
        %get3A_302 = tpu.vector_load %arg7[%get3A_301] {strides = array<i32>} : memref<128xi32, #tpu.memory_space<vmem>>, vector<16xi32>,
        %get3A_303 = vector.shape_cast %get3A_302 : vector<16xi32> to vector<16xi32>
        %add3A_304 = arith.addi %add3A_300, %get3A_303 : vector<16xi32>
        %swap3A_305 = arith.constant 96 : index
        %swap3A_306 = tpu.vector_load %arg14[%swap3A_305] {strides = array<i32>} : memref<128xi32, #tpu.memory_space<vmem>>, vector<16xi32>,
        %swap3A_307 = vector.shape_cast %swap3A_306 : vector<16xi32> to vector<16xi32>
        %swap3A_308 = vector.shape_cast %add3A_304 : vector<16xi32> to vector<16xi32>
        tpu.vector_store %arg14[%swap3A_305], %swap3A_308 {strides = array<i32>} : memref<128xi32, #tpu.memory_space<vmem>>, vector<16xi32>,
        %get3A_309 = arith.constant 112 : index
        %get3A_310 = tpu.vector_load %arg5[%get3A_309] {strides = array<i32>} : memref<128xi32, #tpu.memory_space<vmem>>, vector<16xi32>,
        %get3A_311 = vector.shape_cast %get3A_310 : vector<16xi32> to vector<16xi32>
        %mul3A_312 = arith.constant 35200 : i32
        %mul3A_313 = vector.broadcast %mul3A_312 : i32 to vector<16xi32>
        %mul3A_314 = arith.muli %get3A_311, %mul3A_313 : vector<16xi32>
        %get3A_315 = arith.constant 112 : index
        %get3A_316 = tpu.vector_load %arg6[%get3A_315] {strides = array<i32>} : memref<128xi32, #tpu.memory_space<vmem>>, vector<16xi32>,
        %get3A_317 = vector.shape_cast %get3A_316 : vector<16xi32> to vector<16xi32>
        %mul3A_318 = arith.constant 176 : i32
        %mul3A_319 = vector.broadcast %mul3A_318 : i32 to vector<16xi32>
        %mul3A_320 = arith.muli %get3A_317, %mul3A_319 : vector<16xi32>
        %add3A_321 = arith.addi %mul3A_314, %mul3A_320 : vector<16xi32>
        %get3A_322 = arith.constant 112 : index
        %get3A_323 = tpu.vector_load %arg7[%get3A_322] {strides = array<i32>} : memref<128xi32, #tpu.memory_space<vmem>>, vector<16xi32>,
        %get3A_324 = vector.shape_cast %get3A_323 : vector<16xi32> to vector<16xi32>
        %add3A_325 = arith.addi %add3A_321, %get3A_324 : vector<16xi32>
        %swap3A_326 = arith.constant 112 : index
        %swap3A_327 = tpu.vector_load %arg14[%swap3A_326] {strides = array<i32>} : memref<128xi32, #tpu.memory_space<vmem>>, vector<16xi32>,
        %swap3A_328 = vector.shape_cast %swap3A_327 : vector<16xi32> to vector<16xi32>
        %swap3A_329 = vector.shape_cast %add3A_325 : vector<16xi32> to vector<16xi32>
        tpu.vector_store %arg14[%swap3A_326], %swap3A_329 {strides = array<i32>} : memref<128xi32, #tpu.memory_space<vmem>>, vector<16xi32>,
        %gt3A_330 = arith.constant 0 : i32
        %gt3A_331 = arith.cmpi sgt, %scan3A_58, %gt3A_330 : i32
        %convert_element_type3A_332 = arith.extui %gt3A_331 : i1 to i32
        %cond3A_333 = arith.constant 0 : i32
        %cond3A_334 = arith.cmpi ne, %convert_element_type3A_332, %cond3A_333 : i32
        scf.if %cond3A_334 {
          %dma_wait3A_337 = arith.constant 0 : i32
          %dma_wait3A_338 = arith.constant 0 : i32
          %dma_wait3A_339 = tpu.memref_slice %arg4[%dma_wait3A_337, %dma_wait3A_338] : memref<100000x256xf32, #tpu.memory_space<hbm>> -> memref<128x256xf32, #tpu.memory_space<hbm>>
          %dma_wait3A_340 = arith.constant 0 : i32
          %dma_wait3A_341 = arith.constant 0 : i32
          %dma_wait3A_342 = tpu.memref_slice %arg4[%dma_wait3A_340, %dma_wait3A_341] : memref<100000x256xf32, #tpu.memory_space<hbm>> -> memref<128x256xf32, #tpu.memory_space<hbm>>
          tpu.wait_dma2 semaphore(%arg26 : memref<!tpu.dma_semaphore, #tpu.memory_space<semaphore_mem>>) src(%arg17 : memref<128x256xf32, #tpu.memory_space<vmem>>) dst(%dma_wait3A_342 : memref<128x256xf32, #tpu.memory_space<hbm>>)
        } else {
        }
        %dma_start3A = arith.constant 0 : i32
        %dma_start3A_335 = arith.constant 0 : i32
        %dma_start3A_336 = tpu.memref_slice %arg2[%dma_start3A, %dma_start3A_335] : memref<140800x256xf32, #tpu.memory_space<hbm>> -> memref<140800x256xf32, #tpu.memory_space<hbm>>
        tpu.enqueue_indirect_dma source(%dma_start3A_336 : memref<140800x256xf32, #tpu.memory_space<hbm>>) target(%arg17 : memref<128x256xf32, #tpu.memory_space<vmem>>) offsets(%arg14 : memref<128xi32, #tpu.memory_space<vmem>>) semaphore(%arg23 : memref<!tpu.dma_semaphore, #tpu.memory_space<semaphore_mem>>)
      } else {
      }
      %mul3A_74 = arith.constant 3 : i32
      %mul3A_75 = arith.muli %mul3A_74, %scan3A_58 : i32
      %add3A_76 = arith.constant 1 : i32
      %add3A_77 = arith.addi %mul3A_75, %add3A_76 : i32
      %mul3A_78 = arith.constant 16 : i32
      %mul3A_79 = arith.muli %mul3A_78, %add3A_77 : i32
      %add3A_80 = arith.addi %select_n3A_5, %mul3A_79 : i32
      %mul3A_81 = arith.constant 128 : i32
      %mul3A_82 = arith.muli %add3A_80, %mul3A_81 : i32
      %min3A_83 = arith.constant 99872 : i32
      %min3A_84 = arith.minsi %mul3A_82, %min3A_83 : i32
      %multiple_of3A_85 = tpu.assume_multiple %min3A_84, 8 : i32
      %lt3A_86 = arith.cmpi slt, %add3A_77, %select_n3A : i32
      %convert_element_type3A_87 = arith.extui %lt3A_86 : i1 to i32
      %cond3A_88 = arith.constant 0 : i32
      %cond3A_89 = arith.cmpi ne, %convert_element_type3A_87, %cond3A_88 : i32
      scf.if %cond3A_89 {
        %dma_wait3A_154 = tpu.memref_slice %arg3[%multiple_of3A_85] : memref<400000xi32, #tpu.memory_space<hbm>> -> memref<128xi32, #tpu.memory_space<hbm>>
        %dma_wait3A_155 = tpu.memref_slice %arg3[%multiple_of3A_85] : memref<400000xi32, #tpu.memory_space<hbm>> -> memref<128xi32, #tpu.memory_space<hbm>>
        tpu.wait_dma2 semaphore(%arg21 : memref<!tpu.dma_semaphore, #tpu.memory_space<semaphore_mem>>) src(%dma_wait3A_155 : memref<128xi32, #tpu.memory_space<hbm>>) dst(%arg8 : memref<128xi32, #tpu.memory_space<vmem>>)
        %add3A_156 = arith.constant 200000 : i32
        %add3A_157 = arith.addi %add3A_156, %multiple_of3A_85 : i32
        %dma_wait3A_158 = tpu.memref_slice %arg3[%add3A_157] : memref<400000xi32, #tpu.memory_space<hbm>> -> memref<128xi32, #tpu.memory_space<hbm>>
        %dma_wait3A_159 = tpu.memref_slice %arg3[%add3A_157] : memref<400000xi32, #tpu.memory_space<hbm>> -> memref<128xi32, #tpu.memory_space<hbm>>
        tpu.wait_dma2 semaphore(%arg21 : memref<!tpu.dma_semaphore, #tpu.memory_space<semaphore_mem>>) src(%dma_wait3A_159 : memref<128xi32, #tpu.memory_space<hbm>>) dst(%arg9 : memref<128xi32, #tpu.memory_space<vmem>>)
        %add3A_160 = arith.constant 300000 : i32
        %add3A_161 = arith.addi %add3A_160, %multiple_of3A_85 : i32
        %dma_wait3A_162 = tpu.memref_slice %arg3[%add3A_161] : memref<400000xi32, #tpu.memory_space<hbm>> -> memref<128xi32, #tpu.memory_space<hbm>>
        %dma_wait3A_163 = tpu.memref_slice %arg3[%add3A_161] : memref<400000xi32, #tpu.memory_space<hbm>> -> memref<128xi32, #tpu.memory_space<hbm>>
        tpu.wait_dma2 semaphore(%arg21 : memref<!tpu.dma_semaphore, #tpu.memory_space<semaphore_mem>>) src(%dma_wait3A_163 : memref<128xi32, #tpu.memory_space<hbm>>) dst(%arg10 : memref<128xi32, #tpu.memory_space<vmem>>)
        %get3A = arith.constant 0 : index
        %get3A_164 = tpu.vector_load %arg8[%get3A] {strides = array<i32>} : memref<128xi32, #tpu.memory_space<vmem>>, vector<16xi32>,
        %get3A_165 = vector.shape_cast %get3A_164 : vector<16xi32> to vector<16xi32>
        %mul3A_166 = arith.constant 35200 : i32
        %mul3A_167 = vector.broadcast %mul3A_166 : i32 to vector<16xi32>
        %mul3A_168 = arith.muli %get3A_165, %mul3A_167 : vector<16xi32>
        %get3A_169 = arith.constant 0 : index
        %get3A_170 = tpu.vector_load %arg9[%get3A_169] {strides = array<i32>} : memref<128xi32, #tpu.memory_space<vmem>>, vector<16xi32>,
        %get3A_171 = vector.shape_cast %get3A_170 : vector<16xi32> to vector<16xi32>
        %mul3A_172 = arith.constant 176 : i32
        %mul3A_173 = vector.broadcast %mul3A_172 : i32 to vector<16xi32>
        %mul3A_174 = arith.muli %get3A_171, %mul3A_173 : vector<16xi32>
        %add3A_175 = arith.addi %mul3A_168, %mul3A_174 : vector<16xi32>
        %get3A_176 = arith.constant 0 : index
        %get3A_177 = tpu.vector_load %arg10[%get3A_176] {strides = array<i32>} : memref<128xi32, #tpu.memory_space<vmem>>, vector<16xi32>,
        %get3A_178 = vector.shape_cast %get3A_177 : vector<16xi32> to vector<16xi32>
        %add3A_179 = arith.addi %add3A_175, %get3A_178 : vector<16xi32>
        %swap3A = arith.constant 0 : index
        %swap3A_180 = tpu.vector_load %arg15[%swap3A] {strides = array<i32>} : memref<128xi32, #tpu.memory_space<vmem>>, vector<16xi32>,
        %swap3A_181 = vector.shape_cast %swap3A_180 : vector<16xi32> to vector<16xi32>
        %swap3A_182 = vector.shape_cast %add3A_179 : vector<16xi32> to vector<16xi32>
        tpu.vector_store %arg15[%swap3A], %swap3A_182 {strides = array<i32>} : memref<128xi32, #tpu.memory_space<vmem>>, vector<16xi32>,
        %get3A_183 = arith.constant 16 : index
        %get3A_184 = tpu.vector_load %arg8[%get3A_183] {strides = array<i32>} : memref<128xi32, #tpu.memory_space<vmem>>, vector<16xi32>,
        %get3A_185 = vector.shape_cast %get3A_184 : vector<16xi32> to vector<16xi32>
        %mul3A_186 = arith.constant 35200 : i32
        %mul3A_187 = vector.broadcast %mul3A_186 : i32 to vector<16xi32>
        %mul3A_188 = arith.muli %get3A_185, %mul3A_187 : vector<16xi32>
        %get3A_189 = arith.constant 16 : index
        %get3A_190 = tpu.vector_load %arg9[%get3A_189] {strides = array<i32>} : memref<128xi32, #tpu.memory_space<vmem>>, vector<16xi32>,
        %get3A_191 = vector.shape_cast %get3A_190 : vector<16xi32> to vector<16xi32>
        %mul3A_192 = arith.constant 176 : i32
        %mul3A_193 = vector.broadcast %mul3A_192 : i32 to vector<16xi32>
        %mul3A_194 = arith.muli %get3A_191, %mul3A_193 : vector<16xi32>
        %add3A_195 = arith.addi %mul3A_188, %mul3A_194 : vector<16xi32>
        %get3A_196 = arith.constant 16 : index
        %get3A_197 = tpu.vector_load %arg10[%get3A_196] {strides = array<i32>} : memref<128xi32, #tpu.memory_space<vmem>>, vector<16xi32>,
        %get3A_198 = vector.shape_cast %get3A_197 : vector<16xi32> to vector<16xi32>
        %add3A_199 = arith.addi %add3A_195, %get3A_198 : vector<16xi32>
        %swap3A_200 = arith.constant 16 : index
        %swap3A_201 = tpu.vector_load %arg15[%swap3A_200] {strides = array<i32>} : memref<128xi32, #tpu.memory_space<vmem>>, vector<16xi32>,
        %swap3A_202 = vector.shape_cast %swap3A_201 : vector<16xi32> to vector<16xi32>
        %swap3A_203 = vector.shape_cast %add3A_199 : vector<16xi32> to vector<16xi32>
        tpu.vector_store %arg15[%swap3A_200], %swap3A_203 {strides = array<i32>} : memref<128xi32, #tpu.memory_space<vmem>>, vector<16xi32>,
        %get3A_204 = arith.constant 32 : index
        %get3A_205 = tpu.vector_load %arg8[%get3A_204] {strides = array<i32>} : memref<128xi32, #tpu.memory_space<vmem>>, vector<16xi32>,
        %get3A_206 = vector.shape_cast %get3A_205 : vector<16xi32> to vector<16xi32>
        %mul3A_207 = arith.constant 35200 : i32
        %mul3A_208 = vector.broadcast %mul3A_207 : i32 to vector<16xi32>
        %mul3A_209 = arith.muli %get3A_206, %mul3A_208 : vector<16xi32>
        %get3A_210 = arith.constant 32 : index
        %get3A_211 = tpu.vector_load %arg9[%get3A_210] {strides = array<i32>} : memref<128xi32, #tpu.memory_space<vmem>>, vector<16xi32>,
        %get3A_212 = vector.shape_cast %get3A_211 : vector<16xi32> to vector<16xi32>
        %mul3A_213 = arith.constant 176 : i32
        %mul3A_214 = vector.broadcast %mul3A_213 : i32 to vector<16xi32>
        %mul3A_215 = arith.muli %get3A_212, %mul3A_214 : vector<16xi32>
        %add3A_216 = arith.addi %mul3A_209, %mul3A_215 : vector<16xi32>
        %get3A_217 = arith.constant 32 : index
        %get3A_218 = tpu.vector_load %arg10[%get3A_217] {strides = array<i32>} : memref<128xi32, #tpu.memory_space<vmem>>, vector<16xi32>,
        %get3A_219 = vector.shape_cast %get3A_218 : vector<16xi32> to vector<16xi32>
        %add3A_220 = arith.addi %add3A_216, %get3A_219 : vector<16xi32>
        %swap3A_221 = arith.constant 32 : index
        %swap3A_222 = tpu.vector_load %arg15[%swap3A_221] {strides = array<i32>} : memref<128xi32, #tpu.memory_space<vmem>>, vector<16xi32>,
        %swap3A_223 = vector.shape_cast %swap3A_222 : vector<16xi32> to vector<16xi32>
        %swap3A_224 = vector.shape_cast %add3A_220 : vector<16xi32> to vector<16xi32>
        tpu.vector_store %arg15[%swap3A_221], %swap3A_224 {strides = array<i32>} : memref<128xi32, #tpu.memory_space<vmem>>, vector<16xi32>,
        %get3A_225 = arith.constant 48 : index
        %get3A_226 = tpu.vector_load %arg8[%get3A_225] {strides = array<i32>} : memref<128xi32, #tpu.memory_space<vmem>>, vector<16xi32>,
        %get3A_227 = vector.shape_cast %get3A_226 : vector<16xi32> to vector<16xi32>
        %mul3A_228 = arith.constant 35200 : i32
        %mul3A_229 = vector.broadcast %mul3A_228 : i32 to vector<16xi32>
        %mul3A_230 = arith.muli %get3A_227, %mul3A_229 : vector<16xi32>
        %get3A_231 = arith.constant 48 : index
        %get3A_232 = tpu.vector_load %arg9[%get3A_231] {strides = array<i32>} : memref<128xi32, #tpu.memory_space<vmem>>, vector<16xi32>,
        %get3A_233 = vector.shape_cast %get3A_232 : vector<16xi32> to vector<16xi32>
        %mul3A_234 = arith.constant 176 : i32
        %mul3A_235 = vector.broadcast %mul3A_234 : i32 to vector<16xi32>
        %mul3A_236 = arith.muli %get3A_233, %mul3A_235 : vector<16xi32>
        %add3A_237 = arith.addi %mul3A_230, %mul3A_236 : vector<16xi32>
        %get3A_238 = arith.constant 48 : index
        %get3A_239 = tpu.vector_load %arg10[%get3A_238] {strides = array<i32>} : memref<128xi32, #tpu.memory_space<vmem>>, vector<16xi32>,
        %get3A_240 = vector.shape_cast %get3A_239 : vector<16xi32> to vector<16xi32>
        %add3A_241 = arith.addi %add3A_237, %get3A_240 : vector<16xi32>
        %swap3A_242 = arith.constant 48 : index
        %swap3A_243 = tpu.vector_load %arg15[%swap3A_242] {strides = array<i32>} : memref<128xi32, #tpu.memory_space<vmem>>, vector<16xi32>,
        %swap3A_244 = vector.shape_cast %swap3A_243 : vector<16xi32> to vector<16xi32>
        %swap3A_245 = vector.shape_cast %add3A_241 : vector<16xi32> to vector<16xi32>
        tpu.vector_store %arg15[%swap3A_242], %swap3A_245 {strides = array<i32>} : memref<128xi32, #tpu.memory_space<vmem>>, vector<16xi32>,
        %get3A_246 = arith.constant 64 : index
        %get3A_247 = tpu.vector_load %arg8[%get3A_246] {strides = array<i32>} : memref<128xi32, #tpu.memory_space<vmem>>, vector<16xi32>,
        %get3A_248 = vector.shape_cast %get3A_247 : vector<16xi32> to vector<16xi32>
        %mul3A_249 = arith.constant 35200 : i32
        %mul3A_250 = vector.broadcast %mul3A_249 : i32 to vector<16xi32>
        %mul3A_251 = arith.muli %get3A_248, %mul3A_250 : vector<16xi32>
        %get3A_252 = arith.constant 64 : index
        %get3A_253 = tpu.vector_load %arg9[%get3A_252] {strides = array<i32>} : memref<128xi32, #tpu.memory_space<vmem>>, vector<16xi32>,
        %get3A_254 = vector.shape_cast %get3A_253 : vector<16xi32> to vector<16xi32>
        %mul3A_255 = arith.constant 176 : i32
        %mul3A_256 = vector.broadcast %mul3A_255 : i32 to vector<16xi32>
        %mul3A_257 = arith.muli %get3A_254, %mul3A_256 : vector<16xi32>
        %add3A_258 = arith.addi %mul3A_251, %mul3A_257 : vector<16xi32>
        %get3A_259 = arith.constant 64 : index
        %get3A_260 = tpu.vector_load %arg10[%get3A_259] {strides = array<i32>} : memref<128xi32, #tpu.memory_space<vmem>>, vector<16xi32>,
        %get3A_261 = vector.shape_cast %get3A_260 : vector<16xi32> to vector<16xi32>
        %add3A_262 = arith.addi %add3A_258, %get3A_261 : vector<16xi32>
        %swap3A_263 = arith.constant 64 : index
        %swap3A_264 = tpu.vector_load %arg15[%swap3A_263] {strides = array<i32>} : memref<128xi32, #tpu.memory_space<vmem>>, vector<16xi32>,
        %swap3A_265 = vector.shape_cast %swap3A_264 : vector<16xi32> to vector<16xi32>
        %swap3A_266 = vector.shape_cast %add3A_262 : vector<16xi32> to vector<16xi32>
        tpu.vector_store %arg15[%swap3A_263], %swap3A_266 {strides = array<i32>} : memref<128xi32, #tpu.memory_space<vmem>>, vector<16xi32>,
        %get3A_267 = arith.constant 80 : index
        %get3A_268 = tpu.vector_load %arg8[%get3A_267] {strides = array<i32>} : memref<128xi32, #tpu.memory_space<vmem>>, vector<16xi32>,
        %get3A_269 = vector.shape_cast %get3A_268 : vector<16xi32> to vector<16xi32>
        %mul3A_270 = arith.constant 35200 : i32
        %mul3A_271 = vector.broadcast %mul3A_270 : i32 to vector<16xi32>
        %mul3A_272 = arith.muli %get3A_269, %mul3A_271 : vector<16xi32>
        %get3A_273 = arith.constant 80 : index
        %get3A_274 = tpu.vector_load %arg9[%get3A_273] {strides = array<i32>} : memref<128xi32, #tpu.memory_space<vmem>>, vector<16xi32>,
        %get3A_275 = vector.shape_cast %get3A_274 : vector<16xi32> to vector<16xi32>
        %mul3A_276 = arith.constant 176 : i32
        %mul3A_277 = vector.broadcast %mul3A_276 : i32 to vector<16xi32>
        %mul3A_278 = arith.muli %get3A_275, %mul3A_277 : vector<16xi32>
        %add3A_279 = arith.addi %mul3A_272, %mul3A_278 : vector<16xi32>
        %get3A_280 = arith.constant 80 : index
        %get3A_281 = tpu.vector_load %arg10[%get3A_280] {strides = array<i32>} : memref<128xi32, #tpu.memory_space<vmem>>, vector<16xi32>,
        %get3A_282 = vector.shape_cast %get3A_281 : vector<16xi32> to vector<16xi32>
        %add3A_283 = arith.addi %add3A_279, %get3A_282 : vector<16xi32>
        %swap3A_284 = arith.constant 80 : index
        %swap3A_285 = tpu.vector_load %arg15[%swap3A_284] {strides = array<i32>} : memref<128xi32, #tpu.memory_space<vmem>>, vector<16xi32>,
        %swap3A_286 = vector.shape_cast %swap3A_285 : vector<16xi32> to vector<16xi32>
        %swap3A_287 = vector.shape_cast %add3A_283 : vector<16xi32> to vector<16xi32>
        tpu.vector_store %arg15[%swap3A_284], %swap3A_287 {strides = array<i32>} : memref<128xi32, #tpu.memory_space<vmem>>, vector<16xi32>,
        %get3A_288 = arith.constant 96 : index
        %get3A_289 = tpu.vector_load %arg8[%get3A_288] {strides = array<i32>} : memref<128xi32, #tpu.memory_space<vmem>>, vector<16xi32>,
        %get3A_290 = vector.shape_cast %get3A_289 : vector<16xi32> to vector<16xi32>
        %mul3A_291 = arith.constant 35200 : i32
        %mul3A_292 = vector.broadcast %mul3A_291 : i32 to vector<16xi32>
        %mul3A_293 = arith.muli %get3A_290, %mul3A_292 : vector<16xi32>
        %get3A_294 = arith.constant 96 : index
        %get3A_295 = tpu.vector_load %arg9[%get3A_294] {strides = array<i32>} : memref<128xi32, #tpu.memory_space<vmem>>, vector<16xi32>,
        %get3A_296 = vector.shape_cast %get3A_295 : vector<16xi32> to vector<16xi32>
        %mul3A_297 = arith.constant 176 : i32
        %mul3A_298 = vector.broadcast %mul3A_297 : i32 to vector<16xi32>
        %mul3A_299 = arith.muli %get3A_296, %mul3A_298 : vector<16xi32>
        %add3A_300 = arith.addi %mul3A_293, %mul3A_299 : vector<16xi32>
        %get3A_301 = arith.constant 96 : index
        %get3A_302 = tpu.vector_load %arg10[%get3A_301] {strides = array<i32>} : memref<128xi32, #tpu.memory_space<vmem>>, vector<16xi32>,
        %get3A_303 = vector.shape_cast %get3A_302 : vector<16xi32> to vector<16xi32>
        %add3A_304 = arith.addi %add3A_300, %get3A_303 : vector<16xi32>
        %swap3A_305 = arith.constant 96 : index
        %swap3A_306 = tpu.vector_load %arg15[%swap3A_305] {strides = array<i32>} : memref<128xi32, #tpu.memory_space<vmem>>, vector<16xi32>,
        %swap3A_307 = vector.shape_cast %swap3A_306 : vector<16xi32> to vector<16xi32>
        %swap3A_308 = vector.shape_cast %add3A_304 : vector<16xi32> to vector<16xi32>
        tpu.vector_store %arg15[%swap3A_305], %swap3A_308 {strides = array<i32>} : memref<128xi32, #tpu.memory_space<vmem>>, vector<16xi32>,
        %get3A_309 = arith.constant 112 : index
        %get3A_310 = tpu.vector_load %arg8[%get3A_309] {strides = array<i32>} : memref<128xi32, #tpu.memory_space<vmem>>, vector<16xi32>,
        %get3A_311 = vector.shape_cast %get3A_310 : vector<16xi32> to vector<16xi32>
        %mul3A_312 = arith.constant 35200 : i32
        %mul3A_313 = vector.broadcast %mul3A_312 : i32 to vector<16xi32>
        %mul3A_314 = arith.muli %get3A_311, %mul3A_313 : vector<16xi32>
        %get3A_315 = arith.constant 112 : index
        %get3A_316 = tpu.vector_load %arg9[%get3A_315] {strides = array<i32>} : memref<128xi32, #tpu.memory_space<vmem>>, vector<16xi32>,
        %get3A_317 = vector.shape_cast %get3A_316 : vector<16xi32> to vector<16xi32>
        %mul3A_318 = arith.constant 176 : i32
        %mul3A_319 = vector.broadcast %mul3A_318 : i32 to vector<16xi32>
        %mul3A_320 = arith.muli %get3A_317, %mul3A_319 : vector<16xi32>
        %add3A_321 = arith.addi %mul3A_314, %mul3A_320 : vector<16xi32>
        %get3A_322 = arith.constant 112 : index
        %get3A_323 = tpu.vector_load %arg10[%get3A_322] {strides = array<i32>} : memref<128xi32, #tpu.memory_space<vmem>>, vector<16xi32>,
        %get3A_324 = vector.shape_cast %get3A_323 : vector<16xi32> to vector<16xi32>
        %add3A_325 = arith.addi %add3A_321, %get3A_324 : vector<16xi32>
        %swap3A_326 = arith.constant 112 : index
        %swap3A_327 = tpu.vector_load %arg15[%swap3A_326] {strides = array<i32>} : memref<128xi32, #tpu.memory_space<vmem>>, vector<16xi32>,
        %swap3A_328 = vector.shape_cast %swap3A_327 : vector<16xi32> to vector<16xi32>
        %swap3A_329 = vector.shape_cast %add3A_325 : vector<16xi32> to vector<16xi32>
        tpu.vector_store %arg15[%swap3A_326], %swap3A_329 {strides = array<i32>} : memref<128xi32, #tpu.memory_space<vmem>>, vector<16xi32>,
        %gt3A_330 = arith.constant 0 : i32
        %gt3A_331 = arith.cmpi sgt, %scan3A_58, %gt3A_330 : i32
        %convert_element_type3A_332 = arith.extui %gt3A_331 : i1 to i32
        %cond3A_333 = arith.constant 0 : i32
        %cond3A_334 = arith.cmpi ne, %convert_element_type3A_332, %cond3A_333 : i32
        scf.if %cond3A_334 {
          %dma_wait3A_337 = arith.constant 0 : i32
          %dma_wait3A_338 = arith.constant 0 : i32
          %dma_wait3A_339 = tpu.memref_slice %arg4[%dma_wait3A_337, %dma_wait3A_338] : memref<100000x256xf32, #tpu.memory_space<hbm>> -> memref<128x256xf32, #tpu.memory_space<hbm>>
          %dma_wait3A_340 = arith.constant 0 : i32
          %dma_wait3A_341 = arith.constant 0 : i32
          %dma_wait3A_342 = tpu.memref_slice %arg4[%dma_wait3A_340, %dma_wait3A_341] : memref<100000x256xf32, #tpu.memory_space<hbm>> -> memref<128x256xf32, #tpu.memory_space<hbm>>
          tpu.wait_dma2 semaphore(%arg27 : memref<!tpu.dma_semaphore, #tpu.memory_space<semaphore_mem>>) src(%arg18 : memref<128x256xf32, #tpu.memory_space<vmem>>) dst(%dma_wait3A_342 : memref<128x256xf32, #tpu.memory_space<hbm>>)
        } else {
        }
        %dma_start3A = arith.constant 0 : i32
        %dma_start3A_335 = arith.constant 0 : i32
        %dma_start3A_336 = tpu.memref_slice %arg2[%dma_start3A, %dma_start3A_335] : memref<140800x256xf32, #tpu.memory_space<hbm>> -> memref<140800x256xf32, #tpu.memory_space<hbm>>
        tpu.enqueue_indirect_dma source(%dma_start3A_336 : memref<140800x256xf32, #tpu.memory_space<hbm>>) target(%arg18 : memref<128x256xf32, #tpu.memory_space<vmem>>) offsets(%arg15 : memref<128xi32, #tpu.memory_space<vmem>>) semaphore(%arg24 : memref<!tpu.dma_semaphore, #tpu.memory_space<semaphore_mem>>)
      } else {
      }
      %mul3A_90 = arith.constant 3 : i32
      %mul3A_91 = arith.muli %mul3A_90, %scan3A_58 : i32
      %add3A_92 = arith.constant 2 : i32
      %add3A_93 = arith.addi %mul3A_91, %add3A_92 : i32
      %mul3A_94 = arith.constant 16 : i32
      %mul3A_95 = arith.muli %mul3A_94, %add3A_93 : i32
      %add3A_96 = arith.addi %select_n3A_5, %mul3A_95 : i32
      %mul3A_97 = arith.constant 128 : i32
      %mul3A_98 = arith.muli %add3A_96, %mul3A_97 : i32
      %min3A_99 = arith.constant 99872 : i32
      %min3A_100 = arith.minsi %mul3A_98, %min3A_99 : i32
      %multiple_of3A_101 = tpu.assume_multiple %min3A_100, 8 : i32
      %lt3A_102 = arith.cmpi slt, %add3A_93, %select_n3A : i32
      %convert_element_type3A_103 = arith.extui %lt3A_102 : i1 to i32
      %cond3A_104 = arith.constant 0 : i32
      %cond3A_105 = arith.cmpi ne, %convert_element_type3A_103, %cond3A_104 : i32
      scf.if %cond3A_105 {
        %dma_wait3A_154 = tpu.memref_slice %arg3[%multiple_of3A_101] : memref<400000xi32, #tpu.memory_space<hbm>> -> memref<128xi32, #tpu.memory_space<hbm>>
        %dma_wait3A_155 = tpu.memref_slice %arg3[%multiple_of3A_101] : memref<400000xi32, #tpu.memory_space<hbm>> -> memref<128xi32, #tpu.memory_space<hbm>>
        tpu.wait_dma2 semaphore(%arg22 : memref<!tpu.dma_semaphore, #tpu.memory_space<semaphore_mem>>) src(%dma_wait3A_155 : memref<128xi32, #tpu.memory_space<hbm>>) dst(%arg11 : memref<128xi32, #tpu.memory_space<vmem>>)
        %add3A_156 = arith.constant 200000 : i32
        %add3A_157 = arith.addi %add3A_156, %multiple_of3A_101 : i32
        %dma_wait3A_158 = tpu.memref_slice %arg3[%add3A_157] : memref<400000xi32, #tpu.memory_space<hbm>> -> memref<128xi32, #tpu.memory_space<hbm>>
        %dma_wait3A_159 = tpu.memref_slice %arg3[%add3A_157] : memref<400000xi32, #tpu.memory_space<hbm>> -> memref<128xi32, #tpu.memory_space<hbm>>
        tpu.wait_dma2 semaphore(%arg22 : memref<!tpu.dma_semaphore, #tpu.memory_space<semaphore_mem>>) src(%dma_wait3A_159 : memref<128xi32, #tpu.memory_space<hbm>>) dst(%arg12 : memref<128xi32, #tpu.memory_space<vmem>>)
        %add3A_160 = arith.constant 300000 : i32
        %add3A_161 = arith.addi %add3A_160, %multiple_of3A_101 : i32
        %dma_wait3A_162 = tpu.memref_slice %arg3[%add3A_161] : memref<400000xi32, #tpu.memory_space<hbm>> -> memref<128xi32, #tpu.memory_space<hbm>>
        %dma_wait3A_163 = tpu.memref_slice %arg3[%add3A_161] : memref<400000xi32, #tpu.memory_space<hbm>> -> memref<128xi32, #tpu.memory_space<hbm>>
        tpu.wait_dma2 semaphore(%arg22 : memref<!tpu.dma_semaphore, #tpu.memory_space<semaphore_mem>>) src(%dma_wait3A_163 : memref<128xi32, #tpu.memory_space<hbm>>) dst(%arg13 : memref<128xi32, #tpu.memory_space<vmem>>)
        %get3A = arith.constant 0 : index
        %get3A_164 = tpu.vector_load %arg11[%get3A] {strides = array<i32>} : memref<128xi32, #tpu.memory_space<vmem>>, vector<16xi32>,
        %get3A_165 = vector.shape_cast %get3A_164 : vector<16xi32> to vector<16xi32>
        %mul3A_166 = arith.constant 35200 : i32
        %mul3A_167 = vector.broadcast %mul3A_166 : i32 to vector<16xi32>
        %mul3A_168 = arith.muli %get3A_165, %mul3A_167 : vector<16xi32>
        %get3A_169 = arith.constant 0 : index
        %get3A_170 = tpu.vector_load %arg12[%get3A_169] {strides = array<i32>} : memref<128xi32, #tpu.memory_space<vmem>>, vector<16xi32>,
        %get3A_171 = vector.shape_cast %get3A_170 : vector<16xi32> to vector<16xi32>
        %mul3A_172 = arith.constant 176 : i32
        %mul3A_173 = vector.broadcast %mul3A_172 : i32 to vector<16xi32>
        %mul3A_174 = arith.muli %get3A_171, %mul3A_173 : vector<16xi32>
        %add3A_175 = arith.addi %mul3A_168, %mul3A_174 : vector<16xi32>
        %get3A_176 = arith.constant 0 : index
        %get3A_177 = tpu.vector_load %arg13[%get3A_176] {strides = array<i32>} : memref<128xi32, #tpu.memory_space<vmem>>, vector<16xi32>,
        %get3A_178 = vector.shape_cast %get3A_177 : vector<16xi32> to vector<16xi32>
        %add3A_179 = arith.addi %add3A_175, %get3A_178 : vector<16xi32>
        %swap3A = arith.constant 0 : index
        %swap3A_180 = tpu.vector_load %arg16[%swap3A] {strides = array<i32>} : memref<128xi32, #tpu.memory_space<vmem>>, vector<16xi32>,
        %swap3A_181 = vector.shape_cast %swap3A_180 : vector<16xi32> to vector<16xi32>
        %swap3A_182 = vector.shape_cast %add3A_179 : vector<16xi32> to vector<16xi32>
        tpu.vector_store %arg16[%swap3A], %swap3A_182 {strides = array<i32>} : memref<128xi32, #tpu.memory_space<vmem>>, vector<16xi32>,
        %get3A_183 = arith.constant 16 : index
        %get3A_184 = tpu.vector_load %arg11[%get3A_183] {strides = array<i32>} : memref<128xi32, #tpu.memory_space<vmem>>, vector<16xi32>,
        %get3A_185 = vector.shape_cast %get3A_184 : vector<16xi32> to vector<16xi32>
        %mul3A_186 = arith.constant 35200 : i32
        %mul3A_187 = vector.broadcast %mul3A_186 : i32 to vector<16xi32>
        %mul3A_188 = arith.muli %get3A_185, %mul3A_187 : vector<16xi32>
        %get3A_189 = arith.constant 16 : index
        %get3A_190 = tpu.vector_load %arg12[%get3A_189] {strides = array<i32>} : memref<128xi32, #tpu.memory_space<vmem>>, vector<16xi32>,
        %get3A_191 = vector.shape_cast %get3A_190 : vector<16xi32> to vector<16xi32>
        %mul3A_192 = arith.constant 176 : i32
        %mul3A_193 = vector.broadcast %mul3A_192 : i32 to vector<16xi32>
        %mul3A_194 = arith.muli %get3A_191, %mul3A_193 : vector<16xi32>
        %add3A_195 = arith.addi %mul3A_188, %mul3A_194 : vector<16xi32>
        %get3A_196 = arith.constant 16 : index
        %get3A_197 = tpu.vector_load %arg13[%get3A_196] {strides = array<i32>} : memref<128xi32, #tpu.memory_space<vmem>>, vector<16xi32>,
        %get3A_198 = vector.shape_cast %get3A_197 : vector<16xi32> to vector<16xi32>
        %add3A_199 = arith.addi %add3A_195, %get3A_198 : vector<16xi32>
        %swap3A_200 = arith.constant 16 : index
        %swap3A_201 = tpu.vector_load %arg16[%swap3A_200] {strides = array<i32>} : memref<128xi32, #tpu.memory_space<vmem>>, vector<16xi32>,
        %swap3A_202 = vector.shape_cast %swap3A_201 : vector<16xi32> to vector<16xi32>
        %swap3A_203 = vector.shape_cast %add3A_199 : vector<16xi32> to vector<16xi32>
        tpu.vector_store %arg16[%swap3A_200], %swap3A_203 {strides = array<i32>} : memref<128xi32, #tpu.memory_space<vmem>>, vector<16xi32>,
        %get3A_204 = arith.constant 32 : index
        %get3A_205 = tpu.vector_load %arg11[%get3A_204] {strides = array<i32>} : memref<128xi32, #tpu.memory_space<vmem>>, vector<16xi32>,
        %get3A_206 = vector.shape_cast %get3A_205 : vector<16xi32> to vector<16xi32>
        %mul3A_207 = arith.constant 35200 : i32
        %mul3A_208 = vector.broadcast %mul3A_207 : i32 to vector<16xi32>
        %mul3A_209 = arith.muli %get3A_206, %mul3A_208 : vector<16xi32>
        %get3A_210 = arith.constant 32 : index
        %get3A_211 = tpu.vector_load %arg12[%get3A_210] {strides = array<i32>} : memref<128xi32, #tpu.memory_space<vmem>>, vector<16xi32>,
        %get3A_212 = vector.shape_cast %get3A_211 : vector<16xi32> to vector<16xi32>
        %mul3A_213 = arith.constant 176 : i32
        %mul3A_214 = vector.broadcast %mul3A_213 : i32 to vector<16xi32>
        %mul3A_215 = arith.muli %get3A_212, %mul3A_214 : vector<16xi32>
        %add3A_216 = arith.addi %mul3A_209, %mul3A_215 : vector<16xi32>
        %get3A_217 = arith.constant 32 : index
        %get3A_218 = tpu.vector_load %arg13[%get3A_217] {strides = array<i32>} : memref<128xi32, #tpu.memory_space<vmem>>, vector<16xi32>,
        %get3A_219 = vector.shape_cast %get3A_218 : vector<16xi32> to vector<16xi32>
        %add3A_220 = arith.addi %add3A_216, %get3A_219 : vector<16xi32>
        %swap3A_221 = arith.constant 32 : index
        %swap3A_222 = tpu.vector_load %arg16[%swap3A_221] {strides = array<i32>} : memref<128xi32, #tpu.memory_space<vmem>>, vector<16xi32>,
        %swap3A_223 = vector.shape_cast %swap3A_222 : vector<16xi32> to vector<16xi32>
        %swap3A_224 = vector.shape_cast %add3A_220 : vector<16xi32> to vector<16xi32>
        tpu.vector_store %arg16[%swap3A_221], %swap3A_224 {strides = array<i32>} : memref<128xi32, #tpu.memory_space<vmem>>, vector<16xi32>,
        %get3A_225 = arith.constant 48 : index
        %get3A_226 = tpu.vector_load %arg11[%get3A_225] {strides = array<i32>} : memref<128xi32, #tpu.memory_space<vmem>>, vector<16xi32>,
        %get3A_227 = vector.shape_cast %get3A_226 : vector<16xi32> to vector<16xi32>
        %mul3A_228 = arith.constant 35200 : i32
        %mul3A_229 = vector.broadcast %mul3A_228 : i32 to vector<16xi32>
        %mul3A_230 = arith.muli %get3A_227, %mul3A_229 : vector<16xi32>
        %get3A_231 = arith.constant 48 : index
        %get3A_232 = tpu.vector_load %arg12[%get3A_231] {strides = array<i32>} : memref<128xi32, #tpu.memory_space<vmem>>, vector<16xi32>,
        %get3A_233 = vector.shape_cast %get3A_232 : vector<16xi32> to vector<16xi32>
        %mul3A_234 = arith.constant 176 : i32
        %mul3A_235 = vector.broadcast %mul3A_234 : i32 to vector<16xi32>
        %mul3A_236 = arith.muli %get3A_233, %mul3A_235 : vector<16xi32>
        %add3A_237 = arith.addi %mul3A_230, %mul3A_236 : vector<16xi32>
        %get3A_238 = arith.constant 48 : index
        %get3A_239 = tpu.vector_load %arg13[%get3A_238] {strides = array<i32>} : memref<128xi32, #tpu.memory_space<vmem>>, vector<16xi32>,
        %get3A_240 = vector.shape_cast %get3A_239 : vector<16xi32> to vector<16xi32>
        %add3A_241 = arith.addi %add3A_237, %get3A_240 : vector<16xi32>
        %swap3A_242 = arith.constant 48 : index
        %swap3A_243 = tpu.vector_load %arg16[%swap3A_242] {strides = array<i32>} : memref<128xi32, #tpu.memory_space<vmem>>, vector<16xi32>,
        %swap3A_244 = vector.shape_cast %swap3A_243 : vector<16xi32> to vector<16xi32>
        %swap3A_245 = vector.shape_cast %add3A_241 : vector<16xi32> to vector<16xi32>
        tpu.vector_store %arg16[%swap3A_242], %swap3A_245 {strides = array<i32>} : memref<128xi32, #tpu.memory_space<vmem>>, vector<16xi32>,
        %get3A_246 = arith.constant 64 : index
        %get3A_247 = tpu.vector_load %arg11[%get3A_246] {strides = array<i32>} : memref<128xi32, #tpu.memory_space<vmem>>, vector<16xi32>,
        %get3A_248 = vector.shape_cast %get3A_247 : vector<16xi32> to vector<16xi32>
        %mul3A_249 = arith.constant 35200 : i32
        %mul3A_250 = vector.broadcast %mul3A_249 : i32 to vector<16xi32>
        %mul3A_251 = arith.muli %get3A_248, %mul3A_250 : vector<16xi32>
        %get3A_252 = arith.constant 64 : index
        %get3A_253 = tpu.vector_load %arg12[%get3A_252] {strides = array<i32>} : memref<128xi32, #tpu.memory_space<vmem>>, vector<16xi32>,
        %get3A_254 = vector.shape_cast %get3A_253 : vector<16xi32> to vector<16xi32>
        %mul3A_255 = arith.constant 176 : i32
        %mul3A_256 = vector.broadcast %mul3A_255 : i32 to vector<16xi32>
        %mul3A_257 = arith.muli %get3A_254, %mul3A_256 : vector<16xi32>
        %add3A_258 = arith.addi %mul3A_251, %mul3A_257 : vector<16xi32>
        %get3A_259 = arith.constant 64 : index
        %get3A_260 = tpu.vector_load %arg13[%get3A_259] {strides = array<i32>} : memref<128xi32, #tpu.memory_space<vmem>>, vector<16xi32>,
        %get3A_261 = vector.shape_cast %get3A_260 : vector<16xi32> to vector<16xi32>
        %add3A_262 = arith.addi %add3A_258, %get3A_261 : vector<16xi32>
        %swap3A_263 = arith.constant 64 : index
        %swap3A_264 = tpu.vector_load %arg16[%swap3A_263] {strides = array<i32>} : memref<128xi32, #tpu.memory_space<vmem>>, vector<16xi32>,
        %swap3A_265 = vector.shape_cast %swap3A_264 : vector<16xi32> to vector<16xi32>
        %swap3A_266 = vector.shape_cast %add3A_262 : vector<16xi32> to vector<16xi32>
        tpu.vector_store %arg16[%swap3A_263], %swap3A_266 {strides = array<i32>} : memref<128xi32, #tpu.memory_space<vmem>>, vector<16xi32>,
        %get3A_267 = arith.constant 80 : index
        %get3A_268 = tpu.vector_load %arg11[%get3A_267] {strides = array<i32>} : memref<128xi32, #tpu.memory_space<vmem>>, vector<16xi32>,
        %get3A_269 = vector.shape_cast %get3A_268 : vector<16xi32> to vector<16xi32>
        %mul3A_270 = arith.constant 35200 : i32
        %mul3A_271 = vector.broadcast %mul3A_270 : i32 to vector<16xi32>
        %mul3A_272 = arith.muli %get3A_269, %mul3A_271 : vector<16xi32>
        %get3A_273 = arith.constant 80 : index
        %get3A_274 = tpu.vector_load %arg12[%get3A_273] {strides = array<i32>} : memref<128xi32, #tpu.memory_space<vmem>>, vector<16xi32>,
        %get3A_275 = vector.shape_cast %get3A_274 : vector<16xi32> to vector<16xi32>
        %mul3A_276 = arith.constant 176 : i32
        %mul3A_277 = vector.broadcast %mul3A_276 : i32 to vector<16xi32>
        %mul3A_278 = arith.muli %get3A_275, %mul3A_277 : vector<16xi32>
        %add3A_279 = arith.addi %mul3A_272, %mul3A_278 : vector<16xi32>
        %get3A_280 = arith.constant 80 : index
        %get3A_281 = tpu.vector_load %arg13[%get3A_280] {strides = array<i32>} : memref<128xi32, #tpu.memory_space<vmem>>, vector<16xi32>,
        %get3A_282 = vector.shape_cast %get3A_281 : vector<16xi32> to vector<16xi32>
        %add3A_283 = arith.addi %add3A_279, %get3A_282 : vector<16xi32>
        %swap3A_284 = arith.constant 80 : index
        %swap3A_285 = tpu.vector_load %arg16[%swap3A_284] {strides = array<i32>} : memref<128xi32, #tpu.memory_space<vmem>>, vector<16xi32>,
        %swap3A_286 = vector.shape_cast %swap3A_285 : vector<16xi32> to vector<16xi32>
        %swap3A_287 = vector.shape_cast %add3A_283 : vector<16xi32> to vector<16xi32>
        tpu.vector_store %arg16[%swap3A_284], %swap3A_287 {strides = array<i32>} : memref<128xi32, #tpu.memory_space<vmem>>, vector<16xi32>,
        %get3A_288 = arith.constant 96 : index
        %get3A_289 = tpu.vector_load %arg11[%get3A_288] {strides = array<i32>} : memref<128xi32, #tpu.memory_space<vmem>>, vector<16xi32>,
        %get3A_290 = vector.shape_cast %get3A_289 : vector<16xi32> to vector<16xi32>
        %mul3A_291 = arith.constant 35200 : i32
        %mul3A_292 = vector.broadcast %mul3A_291 : i32 to vector<16xi32>
        %mul3A_293 = arith.muli %get3A_290, %mul3A_292 : vector<16xi32>
        %get3A_294 = arith.constant 96 : index
        %get3A_295 = tpu.vector_load %arg12[%get3A_294] {strides = array<i32>} : memref<128xi32, #tpu.memory_space<vmem>>, vector<16xi32>,
        %get3A_296 = vector.shape_cast %get3A_295 : vector<16xi32> to vector<16xi32>
        %mul3A_297 = arith.constant 176 : i32
        %mul3A_298 = vector.broadcast %mul3A_297 : i32 to vector<16xi32>
        %mul3A_299 = arith.muli %get3A_296, %mul3A_298 : vector<16xi32>
        %add3A_300 = arith.addi %mul3A_293, %mul3A_299 : vector<16xi32>
        %get3A_301 = arith.constant 96 : index
        %get3A_302 = tpu.vector_load %arg13[%get3A_301] {strides = array<i32>} : memref<128xi32, #tpu.memory_space<vmem>>, vector<16xi32>,
        %get3A_303 = vector.shape_cast %get3A_302 : vector<16xi32> to vector<16xi32>
        %add3A_304 = arith.addi %add3A_300, %get3A_303 : vector<16xi32>
        %swap3A_305 = arith.constant 96 : index
        %swap3A_306 = tpu.vector_load %arg16[%swap3A_305] {strides = array<i32>} : memref<128xi32, #tpu.memory_space<vmem>>, vector<16xi32>,
        %swap3A_307 = vector.shape_cast %swap3A_306 : vector<16xi32> to vector<16xi32>
        %swap3A_308 = vector.shape_cast %add3A_304 : vector<16xi32> to vector<16xi32>
        tpu.vector_store %arg16[%swap3A_305], %swap3A_308 {strides = array<i32>} : memref<128xi32, #tpu.memory_space<vmem>>, vector<16xi32>,
        %get3A_309 = arith.constant 112 : index
        %get3A_310 = tpu.vector_load %arg11[%get3A_309] {strides = array<i32>} : memref<128xi32, #tpu.memory_space<vmem>>, vector<16xi32>,
        %get3A_311 = vector.shape_cast %get3A_310 : vector<16xi32> to vector<16xi32>
        %mul3A_312 = arith.constant 35200 : i32
        %mul3A_313 = vector.broadcast %mul3A_312 : i32 to vector<16xi32>
        %mul3A_314 = arith.muli %get3A_311, %mul3A_313 : vector<16xi32>
        %get3A_315 = arith.constant 112 : index
        %get3A_316 = tpu.vector_load %arg12[%get3A_315] {strides = array<i32>} : memref<128xi32, #tpu.memory_space<vmem>>, vector<16xi32>,
        %get3A_317 = vector.shape_cast %get3A_316 : vector<16xi32> to vector<16xi32>
        %mul3A_318 = arith.constant 176 : i32
        %mul3A_319 = vector.broadcast %mul3A_318 : i32 to vector<16xi32>
        %mul3A_320 = arith.muli %get3A_317, %mul3A_319 : vector<16xi32>
        %add3A_321 = arith.addi %mul3A_314, %mul3A_320 : vector<16xi32>
        %get3A_322 = arith.constant 112 : index
        %get3A_323 = tpu.vector_load %arg13[%get3A_322] {strides = array<i32>} : memref<128xi32, #tpu.memory_space<vmem>>, vector<16xi32>,
        %get3A_324 = vector.shape_cast %get3A_323 : vector<16xi32> to vector<16xi32>
        %add3A_325 = arith.addi %add3A_321, %get3A_324 : vector<16xi32>
        %swap3A_326 = arith.constant 112 : index
        %swap3A_327 = tpu.vector_load %arg16[%swap3A_326] {strides = array<i32>} : memref<128xi32, #tpu.memory_space<vmem>>, vector<16xi32>,
        %swap3A_328 = vector.shape_cast %swap3A_327 : vector<16xi32> to vector<16xi32>
        %swap3A_329 = vector.shape_cast %add3A_325 : vector<16xi32> to vector<16xi32>
        tpu.vector_store %arg16[%swap3A_326], %swap3A_329 {strides = array<i32>} : memref<128xi32, #tpu.memory_space<vmem>>, vector<16xi32>,
        %gt3A_330 = arith.constant 0 : i32
        %gt3A_331 = arith.cmpi sgt, %scan3A_58, %gt3A_330 : i32
        %convert_element_type3A_332 = arith.extui %gt3A_331 : i1 to i32
        %cond3A_333 = arith.constant 0 : i32
        %cond3A_334 = arith.cmpi ne, %convert_element_type3A_332, %cond3A_333 : i32
        scf.if %cond3A_334 {
          %dma_wait3A_337 = arith.constant 0 : i32
          %dma_wait3A_338 = arith.constant 0 : i32
          %dma_wait3A_339 = tpu.memref_slice %arg4[%dma_wait3A_337, %dma_wait3A_338] : memref<100000x256xf32, #tpu.memory_space<hbm>> -> memref<128x256xf32, #tpu.memory_space<hbm>>
          %dma_wait3A_340 = arith.constant 0 : i32
          %dma_wait3A_341 = arith.constant 0 : i32
          %dma_wait3A_342 = tpu.memref_slice %arg4[%dma_wait3A_340, %dma_wait3A_341] : memref<100000x256xf32, #tpu.memory_space<hbm>> -> memref<128x256xf32, #tpu.memory_space<hbm>>
          tpu.wait_dma2 semaphore(%arg28 : memref<!tpu.dma_semaphore, #tpu.memory_space<semaphore_mem>>) src(%arg19 : memref<128x256xf32, #tpu.memory_space<vmem>>) dst(%dma_wait3A_342 : memref<128x256xf32, #tpu.memory_space<hbm>>)
        } else {
        }
        %dma_start3A = arith.constant 0 : i32
        %dma_start3A_335 = arith.constant 0 : i32
        %dma_start3A_336 = tpu.memref_slice %arg2[%dma_start3A, %dma_start3A_335] : memref<140800x256xf32, #tpu.memory_space<hbm>> -> memref<140800x256xf32, #tpu.memory_space<hbm>>
        tpu.enqueue_indirect_dma source(%dma_start3A_336 : memref<140800x256xf32, #tpu.memory_space<hbm>>) target(%arg19 : memref<128x256xf32, #tpu.memory_space<vmem>>) offsets(%arg16 : memref<128xi32, #tpu.memory_space<vmem>>) semaphore(%arg25 : memref<!tpu.dma_semaphore, #tpu.memory_space<semaphore_mem>>)
      } else {
      }
      %mul3A_106 = arith.constant 3 : i32
      %mul3A_107 = arith.muli %mul3A_106, %scan3A_58 : i32
      %add3A_108 = arith.constant 0 : i32
      %add3A_109 = arith.addi %mul3A_107, %add3A_108 : i32
      %mul3A_110 = arith.constant 16 : i32
      %mul3A_111 = arith.muli %mul3A_110, %add3A_109 : i32
      %add3A_112 = arith.addi %select_n3A_5, %mul3A_111 : i32
      %mul3A_113 = arith.constant 128 : i32
      %mul3A_114 = arith.muli %add3A_112, %mul3A_113 : i32
      %min3A_115 = arith.constant 99872 : i32
      %min3A_116 = arith.minsi %mul3A_114, %min3A_115 : i32
      %multiple_of3A_117 = tpu.assume_multiple %min3A_116, 8 : i32
      %lt3A_118 = arith.cmpi slt, %add3A_109, %select_n3A : i32
      %convert_element_type3A_119 = arith.extui %lt3A_118 : i1 to i32
      %cond3A_120 = arith.constant 0 : i32
      %cond3A_121 = arith.cmpi ne, %convert_element_type3A_119, %cond3A_120 : i32
      scf.if %cond3A_121 {
        %dma_wait3A_154 = arith.constant 0 : i32
        %dma_wait3A_155 = arith.constant 0 : i32
        %dma_wait3A_156 = tpu.memref_slice %arg2[%dma_wait3A_154, %dma_wait3A_155] : memref<140800x256xf32, #tpu.memory_space<hbm>> -> memref<140800x256xf32, #tpu.memory_space<hbm>>
        tpu.wait_indirect_dma semaphore(%arg23 : memref<!tpu.dma_semaphore, #tpu.memory_space<semaphore_mem>>) src(%dma_wait3A_156 : memref<140800x256xf32, #tpu.memory_space<hbm>>) dst(%arg17 : memref<128x256xf32, #tpu.memory_space<vmem>>)
        %dma_start3A = arith.constant 0 : i32
        %dma_start3A_157 = tpu.memref_slice %arg4[%multiple_of3A_117, %dma_start3A] : memref<100000x256xf32, #tpu.memory_space<hbm>> -> memref<128x256xf32, #tpu.memory_space<hbm>>
        %dma_start3A_158 = arith.constant 0 : i32
        %dma_start3A_159 = tpu.memref_slice %arg4[%multiple_of3A_117, %dma_start3A_158] : memref<100000x256xf32, #tpu.memory_space<hbm>> -> memref<128x256xf32, #tpu.memory_space<hbm>>
        tpu.enqueue_dma source(%arg17 : memref<128x256xf32, #tpu.memory_space<vmem>>) target(%dma_start3A_159 : memref<128x256xf32, #tpu.memory_space<hbm>>) target_semaphore(%arg26 : memref<!tpu.dma_semaphore, #tpu.memory_space<semaphore_mem>>)
        %add3A_160 = arith.constant 1 : i32
        %add3A_161 = arith.addi %scan3A_58, %add3A_160 : i32
        %mul3A_162 = arith.constant 3 : i32
        %mul3A_163 = arith.muli %mul3A_162, %add3A_161 : i32
        %add3A_164 = arith.constant 0 : i32
        %add3A_165 = arith.addi %mul3A_163, %add3A_164 : i32
        %mul3A_166 = arith.constant 16 : i32
        %mul3A_167 = arith.muli %mul3A_166, %add3A_165 : i32
        %add3A_168 = arith.addi %select_n3A_5, %mul3A_167 : i32
        %mul3A_169 = arith.constant 128 : i32
        %mul3A_170 = arith.muli %add3A_168, %mul3A_169 : i32
        %min3A_171 = arith.constant 99872 : i32
        %min3A_172 = arith.minsi %mul3A_170, %min3A_171 : i32
        %multiple_of3A_173 = tpu.assume_multiple %min3A_172, 8 : i32
        %lt3A_174 = arith.cmpi slt, %add3A_165, %select_n3A : i32
        %convert_element_type3A_175 = arith.extui %lt3A_174 : i1 to i32
        %cond3A_176 = arith.constant 0 : i32
        %cond3A_177 = arith.cmpi ne, %convert_element_type3A_175, %cond3A_176 : i32
        scf.if %cond3A_177 {
          %dma_start3A_178 = tpu.memref_slice %arg3[%multiple_of3A_173] : memref<400000xi32, #tpu.memory_space<hbm>> -> memref<128xi32, #tpu.memory_space<hbm>>
          %dma_start3A_179 = tpu.memref_slice %arg3[%multiple_of3A_173] : memref<400000xi32, #tpu.memory_space<hbm>> -> memref<128xi32, #tpu.memory_space<hbm>>
          tpu.enqueue_dma source(%dma_start3A_179 : memref<128xi32, #tpu.memory_space<hbm>>) target(%arg5 : memref<128xi32, #tpu.memory_space<vmem>>) target_semaphore(%arg20 : memref<!tpu.dma_semaphore, #tpu.memory_space<semaphore_mem>>)
          %add3A_180 = arith.constant 200000 : i32
          %add3A_181 = arith.addi %add3A_180, %multiple_of3A_173 : i32
          %dma_start3A_182 = tpu.memref_slice %arg3[%add3A_181] : memref<400000xi32, #tpu.memory_space<hbm>> -> memref<128xi32, #tpu.memory_space<hbm>>
          %dma_start3A_183 = tpu.memref_slice %arg3[%add3A_181] : memref<400000xi32, #tpu.memory_space<hbm>> -> memref<128xi32, #tpu.memory_space<hbm>>
          tpu.enqueue_dma source(%dma_start3A_183 : memref<128xi32, #tpu.memory_space<hbm>>) target(%arg6 : memref<128xi32, #tpu.memory_space<vmem>>) target_semaphore(%arg20 : memref<!tpu.dma_semaphore, #tpu.memory_space<semaphore_mem>>)
          %add3A_184 = arith.constant 300000 : i32
          %add3A_185 = arith.addi %add3A_184, %multiple_of3A_173 : i32
          %dma_start3A_186 = tpu.memref_slice %arg3[%add3A_185] : memref<400000xi32, #tpu.memory_space<hbm>> -> memref<128xi32, #tpu.memory_space<hbm>>
          %dma_start3A_187 = tpu.memref_slice %arg3[%add3A_185] : memref<400000xi32, #tpu.memory_space<hbm>> -> memref<128xi32, #tpu.memory_space<hbm>>
          tpu.enqueue_dma source(%dma_start3A_187 : memref<128xi32, #tpu.memory_space<hbm>>) target(%arg7 : memref<128xi32, #tpu.memory_space<vmem>>) target_semaphore(%arg20 : memref<!tpu.dma_semaphore, #tpu.memory_space<semaphore_mem>>)
        } else {
        }
      } else {
      }
      %mul3A_122 = arith.constant 3 : i32
      %mul3A_123 = arith.muli %mul3A_122, %scan3A_58 : i32
      %add3A_124 = arith.constant 1 : i32
      %add3A_125 = arith.addi %mul3A_123, %add3A_124 : i32
      %mul3A_126 = arith.constant 16 : i32
      %mul3A_127 = arith.muli %mul3A_126, %add3A_125 : i32
      %add3A_128 = arith.addi %select_n3A_5, %mul3A_127 : i32
      %mul3A_129 = arith.constant 128 : i32
      %mul3A_130 = arith.muli %add3A_128, %mul3A_129 : i32
      %min3A_131 = arith.constant 99872 : i32
      %min3A_132 = arith.minsi %mul3A_130, %min3A_131 : i32
      %multiple_of3A_133 = tpu.assume_multiple %min3A_132, 8 : i32
      %lt3A_134 = arith.cmpi slt, %add3A_125, %select_n3A : i32
      %convert_element_type3A_135 = arith.extui %lt3A_134 : i1 to i32
      %cond3A_136 = arith.constant 0 : i32
      %cond3A_137 = arith.cmpi ne, %convert_element_type3A_135, %cond3A_136 : i32
      scf.if %cond3A_137 {
        %dma_wait3A_154 = arith.constant 0 : i32
        %dma_wait3A_155 = arith.constant 0 : i32
        %dma_wait3A_156 = tpu.memref_slice %arg2[%dma_wait3A_154, %dma_wait3A_155] : memref<140800x256xf32, #tpu.memory_space<hbm>> -> memref<140800x256xf32, #tpu.memory_space<hbm>>
        tpu.wait_indirect_dma semaphore(%arg24 : memref<!tpu.dma_semaphore, #tpu.memory_space<semaphore_mem>>) src(%dma_wait3A_156 : memref<140800x256xf32, #tpu.memory_space<hbm>>) dst(%arg18 : memref<128x256xf32, #tpu.memory_space<vmem>>)
        %dma_start3A = arith.constant 0 : i32
        %dma_start3A_157 = tpu.memref_slice %arg4[%multiple_of3A_133, %dma_start3A] : memref<100000x256xf32, #tpu.memory_space<hbm>> -> memref<128x256xf32, #tpu.memory_space<hbm>>
        %dma_start3A_158 = arith.constant 0 : i32
        %dma_start3A_159 = tpu.memref_slice %arg4[%multiple_of3A_133, %dma_start3A_158] : memref<100000x256xf32, #tpu.memory_space<hbm>> -> memref<128x256xf32, #tpu.memory_space<hbm>>
        tpu.enqueue_dma source(%arg18 : memref<128x256xf32, #tpu.memory_space<vmem>>) target(%dma_start3A_159 : memref<128x256xf32, #tpu.memory_space<hbm>>) target_semaphore(%arg27 : memref<!tpu.dma_semaphore, #tpu.memory_space<semaphore_mem>>)
        %add3A_160 = arith.constant 1 : i32
        %add3A_161 = arith.addi %scan3A_58, %add3A_160 : i32
        %mul3A_162 = arith.constant 3 : i32
        %mul3A_163 = arith.muli %mul3A_162, %add3A_161 : i32
        %add3A_164 = arith.constant 1 : i32
        %add3A_165 = arith.addi %mul3A_163, %add3A_164 : i32
        %mul3A_166 = arith.constant 16 : i32
        %mul3A_167 = arith.muli %mul3A_166, %add3A_165 : i32
        %add3A_168 = arith.addi %select_n3A_5, %mul3A_167 : i32
        %mul3A_169 = arith.constant 128 : i32
        %mul3A_170 = arith.muli %add3A_168, %mul3A_169 : i32
        %min3A_171 = arith.constant 99872 : i32
        %min3A_172 = arith.minsi %mul3A_170, %min3A_171 : i32
        %multiple_of3A_173 = tpu.assume_multiple %min3A_172, 8 : i32
        %lt3A_174 = arith.cmpi slt, %add3A_165, %select_n3A : i32
        %convert_element_type3A_175 = arith.extui %lt3A_174 : i1 to i32
        %cond3A_176 = arith.constant 0 : i32
        %cond3A_177 = arith.cmpi ne, %convert_element_type3A_175, %cond3A_176 : i32
        scf.if %cond3A_177 {
          %dma_start3A_178 = tpu.memref_slice %arg3[%multiple_of3A_173] : memref<400000xi32, #tpu.memory_space<hbm>> -> memref<128xi32, #tpu.memory_space<hbm>>
          %dma_start3A_179 = tpu.memref_slice %arg3[%multiple_of3A_173] : memref<400000xi32, #tpu.memory_space<hbm>> -> memref<128xi32, #tpu.memory_space<hbm>>
          tpu.enqueue_dma source(%dma_start3A_179 : memref<128xi32, #tpu.memory_space<hbm>>) target(%arg8 : memref<128xi32, #tpu.memory_space<vmem>>) target_semaphore(%arg21 : memref<!tpu.dma_semaphore, #tpu.memory_space<semaphore_mem>>)
          %add3A_180 = arith.constant 200000 : i32
          %add3A_181 = arith.addi %add3A_180, %multiple_of3A_173 : i32
          %dma_start3A_182 = tpu.memref_slice %arg3[%add3A_181] : memref<400000xi32, #tpu.memory_space<hbm>> -> memref<128xi32, #tpu.memory_space<hbm>>
          %dma_start3A_183 = tpu.memref_slice %arg3[%add3A_181] : memref<400000xi32, #tpu.memory_space<hbm>> -> memref<128xi32, #tpu.memory_space<hbm>>
          tpu.enqueue_dma source(%dma_start3A_183 : memref<128xi32, #tpu.memory_space<hbm>>) target(%arg9 : memref<128xi32, #tpu.memory_space<vmem>>) target_semaphore(%arg21 : memref<!tpu.dma_semaphore, #tpu.memory_space<semaphore_mem>>)
          %add3A_184 = arith.constant 300000 : i32
          %add3A_185 = arith.addi %add3A_184, %multiple_of3A_173 : i32
          %dma_start3A_186 = tpu.memref_slice %arg3[%add3A_185] : memref<400000xi32, #tpu.memory_space<hbm>> -> memref<128xi32, #tpu.memory_space<hbm>>
          %dma_start3A_187 = tpu.memref_slice %arg3[%add3A_185] : memref<400000xi32, #tpu.memory_space<hbm>> -> memref<128xi32, #tpu.memory_space<hbm>>
          tpu.enqueue_dma source(%dma_start3A_187 : memref<128xi32, #tpu.memory_space<hbm>>) target(%arg10 : memref<128xi32, #tpu.memory_space<vmem>>) target_semaphore(%arg21 : memref<!tpu.dma_semaphore, #tpu.memory_space<semaphore_mem>>)
        } else {
        }
      } else {
      }
      %mul3A_138 = arith.constant 3 : i32
      %mul3A_139 = arith.muli %mul3A_138, %scan3A_58 : i32
      %add3A_140 = arith.constant 2 : i32
      %add3A_141 = arith.addi %mul3A_139, %add3A_140 : i32
      %mul3A_142 = arith.constant 16 : i32
      %mul3A_143 = arith.muli %mul3A_142, %add3A_141 : i32
      %add3A_144 = arith.addi %select_n3A_5, %mul3A_143 : i32
      %mul3A_145 = arith.constant 128 : i32
      %mul3A_146 = arith.muli %add3A_144, %mul3A_145 : i32
      %min3A_147 = arith.constant 99872 : i32
      %min3A_148 = arith.minsi %mul3A_146, %min3A_147 : i32
      %multiple_of3A_149 = tpu.assume_multiple %min3A_148, 8 : i32
      %lt3A_150 = arith.cmpi slt, %add3A_141, %select_n3A : i32
      %convert_element_type3A_151 = arith.extui %lt3A_150 : i1 to i32
      %cond3A_152 = arith.constant 0 : i32
      %cond3A_153 = arith.cmpi ne, %convert_element_type3A_151, %cond3A_152 : i32
      scf.if %cond3A_153 {
        %dma_wait3A_154 = arith.constant 0 : i32
        %dma_wait3A_155 = arith.constant 0 : i32
        %dma_wait3A_156 = tpu.memref_slice %arg2[%dma_wait3A_154, %dma_wait3A_155] : memref<140800x256xf32, #tpu.memory_space<hbm>> -> memref<140800x256xf32, #tpu.memory_space<hbm>>
        tpu.wait_indirect_dma semaphore(%arg25 : memref<!tpu.dma_semaphore, #tpu.memory_space<semaphore_mem>>) src(%dma_wait3A_156 : memref<140800x256xf32, #tpu.memory_space<hbm>>) dst(%arg19 : memref<128x256xf32, #tpu.memory_space<vmem>>)
        %dma_start3A = arith.constant 0 : i32
        %dma_start3A_157 = tpu.memref_slice %arg4[%multiple_of3A_149, %dma_start3A] : memref<100000x256xf32, #tpu.memory_space<hbm>> -> memref<128x256xf32, #tpu.memory_space<hbm>>
        %dma_start3A_158 = arith.constant 0 : i32
        %dma_start3A_159 = tpu.memref_slice %arg4[%multiple_of3A_149, %dma_start3A_158] : memref<100000x256xf32, #tpu.memory_space<hbm>> -> memref<128x256xf32, #tpu.memory_space<hbm>>
        tpu.enqueue_dma source(%arg19 : memref<128x256xf32, #tpu.memory_space<vmem>>) target(%dma_start3A_159 : memref<128x256xf32, #tpu.memory_space<hbm>>) target_semaphore(%arg28 : memref<!tpu.dma_semaphore, #tpu.memory_space<semaphore_mem>>)
        %add3A_160 = arith.constant 1 : i32
        %add3A_161 = arith.addi %scan3A_58, %add3A_160 : i32
        %mul3A_162 = arith.constant 3 : i32
        %mul3A_163 = arith.muli %mul3A_162, %add3A_161 : i32
        %add3A_164 = arith.constant 2 : i32
        %add3A_165 = arith.addi %mul3A_163, %add3A_164 : i32
        %mul3A_166 = arith.constant 16 : i32
        %mul3A_167 = arith.muli %mul3A_166, %add3A_165 : i32
        %add3A_168 = arith.addi %select_n3A_5, %mul3A_167 : i32
        %mul3A_169 = arith.constant 128 : i32
        %mul3A_170 = arith.muli %add3A_168, %mul3A_169 : i32
        %min3A_171 = arith.constant 99872 : i32
        %min3A_172 = arith.minsi %mul3A_170, %min3A_171 : i32
        %multiple_of3A_173 = tpu.assume_multiple %min3A_172, 8 : i32
        %lt3A_174 = arith.cmpi slt, %add3A_165, %select_n3A : i32
        %convert_element_type3A_175 = arith.extui %lt3A_174 : i1 to i32
        %cond3A_176 = arith.constant 0 : i32
        %cond3A_177 = arith.cmpi ne, %convert_element_type3A_175, %cond3A_176 : i32
        scf.if %cond3A_177 {
          %dma_start3A_178 = tpu.memref_slice %arg3[%multiple_of3A_173] : memref<400000xi32, #tpu.memory_space<hbm>> -> memref<128xi32, #tpu.memory_space<hbm>>
          %dma_start3A_179 = tpu.memref_slice %arg3[%multiple_of3A_173] : memref<400000xi32, #tpu.memory_space<hbm>> -> memref<128xi32, #tpu.memory_space<hbm>>
          tpu.enqueue_dma source(%dma_start3A_179 : memref<128xi32, #tpu.memory_space<hbm>>) target(%arg11 : memref<128xi32, #tpu.memory_space<vmem>>) target_semaphore(%arg22 : memref<!tpu.dma_semaphore, #tpu.memory_space<semaphore_mem>>)
          %add3A_180 = arith.constant 200000 : i32
          %add3A_181 = arith.addi %add3A_180, %multiple_of3A_173 : i32
          %dma_start3A_182 = tpu.memref_slice %arg3[%add3A_181] : memref<400000xi32, #tpu.memory_space<hbm>> -> memref<128xi32, #tpu.memory_space<hbm>>
          %dma_start3A_183 = tpu.memref_slice %arg3[%add3A_181] : memref<400000xi32, #tpu.memory_space<hbm>> -> memref<128xi32, #tpu.memory_space<hbm>>
          tpu.enqueue_dma source(%dma_start3A_183 : memref<128xi32, #tpu.memory_space<hbm>>) target(%arg12 : memref<128xi32, #tpu.memory_space<vmem>>) target_semaphore(%arg22 : memref<!tpu.dma_semaphore, #tpu.memory_space<semaphore_mem>>)
          %add3A_184 = arith.constant 300000 : i32
          %add3A_185 = arith.addi %add3A_184, %multiple_of3A_173 : i32
          %dma_start3A_186 = tpu.memref_slice %arg3[%add3A_185] : memref<400000xi32, #tpu.memory_space<hbm>> -> memref<128xi32, #tpu.memory_space<hbm>>
          %dma_start3A_187 = tpu.memref_slice %arg3[%add3A_185] : memref<400000xi32, #tpu.memory_space<hbm>> -> memref<128xi32, #tpu.memory_space<hbm>>
          tpu.enqueue_dma source(%dma_start3A_187 : memref<128xi32, #tpu.memory_space<hbm>>) target(%arg13 : memref<128xi32, #tpu.memory_space<vmem>>) target_semaphore(%arg22 : memref<!tpu.dma_semaphore, #tpu.memory_space<semaphore_mem>>)
        } else {
        }
      } else {
      }
    }
    %scan3A_40 = arith.constant 9 : i32
    %dma_wait3A = arith.constant 0 : i32
    %dma_wait3A_41 = arith.constant 0 : i32
    %dma_wait3A_42 = tpu.memref_slice %arg4[%dma_wait3A, %dma_wait3A_41] : memref<100000x256xf32, #tpu.memory_space<hbm>> -> memref<128x256xf32, #tpu.memory_space<hbm>>
    %dma_wait3A_43 = arith.constant 0 : i32
    %dma_wait3A_44 = arith.constant 0 : i32
    %dma_wait3A_45 = tpu.memref_slice %arg4[%dma_wait3A_43, %dma_wait3A_44] : memref<100000x256xf32, #tpu.memory_space<hbm>> -> memref<128x256xf32, #tpu.memory_space<hbm>>
    tpu.wait_dma2 semaphore(%arg26 : memref<!tpu.dma_semaphore, #tpu.memory_space<semaphore_mem>>) src(%arg17 : memref<128x256xf32, #tpu.memory_space<vmem>>) dst(%dma_wait3A_45 : memref<128x256xf32, #tpu.memory_space<hbm>>)
    %dma_wait3A_46 = arith.constant 0 : i32
    %dma_wait3A_47 = arith.constant 0 : i32
    %dma_wait3A_48 = tpu.memref_slice %arg4[%dma_wait3A_46, %dma_wait3A_47] : memref<100000x256xf32, #tpu.memory_space<hbm>> -> memref<128x256xf32, #tpu.memory_space<hbm>>
    %dma_wait3A_49 = arith.constant 0 : i32
    %dma_wait3A_50 = arith.constant 0 : i32
    %dma_wait3A_51 = tpu.memref_slice %arg4[%dma_wait3A_49, %dma_wait3A_50] : memref<100000x256xf32, #tpu.memory_space<hbm>> -> memref<128x256xf32, #tpu.memory_space<hbm>>
    tpu.wait_dma2 semaphore(%arg27 : memref<!tpu.dma_semaphore, #tpu.memory_space<semaphore_mem>>) src(%arg18 : memref<128x256xf32, #tpu.memory_space<vmem>>) dst(%dma_wait3A_51 : memref<128x256xf32, #tpu.memory_space<hbm>>)
    %dma_wait3A_52 = arith.constant 0 : i32
    %dma_wait3A_53 = arith.constant 0 : i32
    %dma_wait3A_54 = tpu.memref_slice %arg4[%dma_wait3A_52, %dma_wait3A_53] : memref<100000x256xf32, #tpu.memory_space<hbm>> -> memref<128x256xf32, #tpu.memory_space<hbm>>
    %dma_wait3A_55 = arith.constant 0 : i32
    %dma_wait3A_56 = arith.constant 0 : i32
    %dma_wait3A_57 = tpu.memref_slice %arg4[%dma_wait3A_55, %dma_wait3A_56] : memref<100000x256xf32, #tpu.memory_space<hbm>> -> memref<128x256xf32, #tpu.memory_space<hbm>>
    tpu.wait_dma2 semaphore(%arg28 : memref<!tpu.dma_semaphore, #tpu.memory_space<semaphore_mem>>) src(%arg19 : memref<128x256xf32, #tpu.memory_space<vmem>>) dst(%dma_wait3A_57 : memref<128x256xf32, #tpu.memory_space<hbm>>)
    return
  }
}

</mosaic_0001>

<sc_bundles>
// kernel: kernel.3.cloned.1.call-start
scs
__scs_entry_jumppad:
0x0: {  	(pc) =	sbr.rel $0x88, $3  }
0x1: {  	(tag) =	ssettag $0x0;
	lr =	simm.s32 $0x1  }
0x2: {  	[smem:$0x3F9F] =	sst lr;
	_ =	strace $0xD0000000  }
0x3: {  	_ = 	snop  }
0x4: {  	_ = 	snop  }
0x5: {  	_ = 	snop  }
0x6: {  	_ = 	snop  }
0x7: {  	_ = 	snop  }
__scs_overlays_trampoline_lowered:
0x8: {  	[smem:$0x3FAE] =	sst s0  }
0x9: {  	[smem:$0x3FAF] =	sst s1  }
0xa: {  	[smem:$0x3FB0] =	sst s2  }
0xb: {  	[smem:$0x3FB1] =	sst s3  }
0xc: {  	[smem:$0x3FB2] =	sst s4  }
0xd: {  	[smem:$0x3FB3] =	sst s5  }
0xe: {  	[smem:$0x3FB4] =	sst s6  }
0xf: {  	[smem:$0x3FB5] =	sst s7  }
0x10: {  	[smem:$0x3FB6] =	sst s8  }
0x11: {  	[smem:$0x3FB7] =	sst s9;
	s0 =	simm.s32 @!p0 $0x0  }
0x12: {  	s1 =	sld [smem:$0x3F9D];
	s0 =	simm.s32 @p0 $0x1  }
0x13: {  	[smem:$0x3FB8] =	sst s0;
	s0 =	simm.s32 @!p1 $0x0  }
0x14: {  	s2 =	sld [smem:$0x3F9C];
	s0 =	simm.s32 @p1 $0x1  }
0x15: {  	[smem:$0x3FB9] =	sst s0;
	s0 =	simm.s32 @!p2 $0x0  }
0x16: {  	s3 =	sld [smem:$0x3FDB];
	s0 =	simm.s32 @p2 $0x1  }
0x17: {  	s4 =	simm.s32 $0x1BF5;
	[smem:$0x3FBB] =	sst s0  }
0x18: {  	s0 =	sld [smem:$0x3F9E];
	_ =	swait.ge [sflag:s4], $0x0  }
0x19: {  	s7 =	sld [smem:$0x3F9F]  }
0x1a: {  	s8 =	sadd.s32 $0xFFFFE003, lr  }
0x1b: {  	s9 =	sadd.s32 $0xFFFFFEF7, lr;
	s5 =	simm.s32 $0xFFFFFFFF;
	p2 =	slt.u32 s8, $0xFFFFF086  }
0x1c: {  	p1 =	slt.u32 s9, $0xF7A;
	s5 =	simm.s32 @!p2 $0x0  }
0x1d: {  	s5 =	simm.s32 @p1 $0x1;
	p0 =	seq.s32 s7, s2  }
0x1e: {  	s7 =	smul.u32 @!p0 $0xF7A, s2;
	p2 =	seq.s32 @!p0 s5, $0x0  }
0x1f: {  	s9 =	smul.u32 $0xF7A, s1;
	s8 =	simm.s32 @!p0 $0x1BF5;
	p2 =	por !p2, p0  }
0x20: {  	[sflag:s8] =	ssyncset.s32 @!p0 $0xFFFFF086;
	s6 =	sadd.s32 @!p0 s3, s7;
	s7 =	simm.s32 @!p0 $0x108  }
0x21: {  	s3 =	sadd.s32 s3, s9;
	s6 =	sadd.s32 @!p0 $0x88, s6;
	s7 =	simm.s32 @p2 $0x1082  }
0x22: {  	[simem:s7], [sflag:s8] =	dma.local @!p0 [hbm:s6], $0xF7A  }
0x23: {  	s9 =	sor.u32 $0xD0000000, s2;
	s6 =	simm.s32 $0x108;
	_ =	swait.ge @!p0 [sflag:s8], $0x0  }
0x24: {  	s3 =	sadd.s32 $0x88, s3;
	s6 =	simm.s32 @!p1 $0x1082;
	[sflag:s4] =	ssyncset.s32 $0xFFFFF086  }
0x25: {  	[simem:s6], [sflag:s4] =	dma.local [hbm:s3], $0xF7A  }
0x26: {  	[smem:$0x3F9F] =	sst s1;
	(tag) =	ssettag s2;
	_ =	strace s9  }
0x27: {  	s1 =	sld [smem:$0x3FAF]  }
0x28: {  	s2 =	sld [smem:$0x3FB0]  }
0x29: {  	s4 =	sld [smem:$0x3FB2]  }
0x2a: {  	p0 =	seq.s32 s5, $0x0;
	s5 =	sld [smem:$0x3FB3]  }
0x2b: {  	s6 =	sld [smem:$0x3FB4]  }
0x2c: {  	s7 =	sld [smem:$0x3FB5]  }
0x2d: {  	s3 =	simm.s32 $0x108;
	s8 =	sld [smem:$0x3FB6]  }
0x2e: {  	s3 =	simm.s32 @!p0 $0x1082;
	s9 =	sld [smem:$0x3FB7]  }
0x2f: {  	lr =	sadd.s32 s0, s3;
	s0 =	sld [smem:$0x3FAE]  }
0x30: {  	s3 =	sld [smem:$0x3FB1]  }
0x31: {  	[smem:$0x3FBA] =	sst s10  }
0x32: {  	s10 =	sld [smem:$0x3FB8];
	_ =	sdelay $0x3  }
0x33: {  	p0 =	seq.s32 s10, $0x1;
	s10 =	sld [smem:$0x3FBA];
	_ =	sdelay $0x3  }
0x34: {  	[smem:$0x3FBA] =	sst s10  }
0x35: {  	s10 =	sld [smem:$0x3FB9];
	_ =	sdelay $0x3  }
0x36: {  	p1 =	seq.s32 s10, $0x1;
	s10 =	sld [smem:$0x3FBA];
	_ =	sdelay $0x3  }
0x37: {  	[smem:$0x3FBA] =	sst s10  }
0x38: {  	s10 =	sld [smem:$0x3FBB]  }
0x39: {  	_ = 	snop;
	(pc) =	sbr.ind lr, $3  }
0x3a: {  	_ = 	snop  }
0x3b: {  	_ = 	snop  }
0x3c: {  	p2 =	seq.s32 s10, $0x1;
	s10 =	sld [smem:$0x3FBA]  }
0x3d: {  	_ =	shalt  }
0x3e: {  	_ =	shalt  }
0x3f: {  	_ =	shalt  }
0x40: {  	_ =	shalt  }
0x41: {  	_ =	shalt  }
0x42: {  	_ =	shalt  }
0x43: {  	_ =	shalt  }
0x44: {  	_ =	shalt  }
0x45: {  	_ =	shalt  }
0x46: {  	_ =	shalt  }
0x47: {  	_ =	shalt  }
0x48: {  	_ =	shalt  }
0x49: {  	_ =	shalt  }
0x4a: {  	_ =	shalt  }
0x4b: {  	_ =	shalt  }
0x4c: {  	_ =	shalt  }
0x4d: {  	_ =	shalt  }
0x4e: {  	_ =	shalt  }
0x4f: {  	_ =	shalt  }
0x50: {  	_ =	shalt  }
0x51: {  	_ =	shalt  }
0x52: {  	_ =	shalt  }
0x53: {  	_ =	shalt  }
0x54: {  	_ =	shalt  }
0x55: {  	_ =	shalt  }
0x56: {  	_ =	shalt  }
0x57: {  	_ =	shalt  }
0x58: {  	_ =	shalt  }
0x59: {  	_ =	shalt  }
0x5a: {  	_ =	shalt  }
0x5b: {  	_ =	shalt  }
0x5c: {  	_ =	shalt  }
0x5d: {  	_ =	shalt  }
0x5e: {  	_ =	shalt  }
0x5f: {  	_ =	shalt  }
0x60: {  	_ =	shalt  }
0x61: {  	_ =	shalt  }
0x62: {  	_ =	shalt  }
0x63: {  	_ =	shalt  }
0x64: {  	_ =	shalt  }
0x65: {  	_ =	shalt  }
0x66: {  	_ =	shalt  }
0x67: {  	_ =	shalt  }
0x68: {  	_ =	shalt  }
0x69: {  	_ =	shalt  }
0x6a: {  	_ =	shalt  }
0x6b: {  	_ =	shalt  }
0x6c: {  	_ =	shalt  }
0x6d: {  	_ =	shalt  }
0x6e: {  	_ =	shalt  }
0x6f: {  	_ =	shalt  }
0x70: {  	_ =	shalt  }
0x71: {  	_ =	shalt  }
0x72: {  	_ =	shalt  }
0x73: {  	_ =	shalt  }
0x74: {  	_ =	shalt  }
0x75: {  	_ =	shalt  }
0x76: {  	_ =	shalt  }
0x77: {  	_ =	shalt  }
0x78: {  	_ =	shalt  }
0x79: {  	_ =	shalt  }
0x7a: {  	_ =	shalt  }
0x7b: {  	_ =	shalt  }
0x7c: {  	_ =	shalt  }
0x7d: {  	_ =	shalt  }
0x7e: {  	_ =	shalt  }
0x7f: {  	_ =	shalt  }
0x80: {  	_ =	shalt  }
0x81: {  	_ =	shalt  }
0x82: {  	_ =	shalt  }
0x83: {  	_ =	shalt  }
0x84: {  	_ =	shalt  }
0x85: {  	_ =	shalt  }
0x86: {  	_ =	shalt  }
0x87: {  	_ =	shalt  }
.Lfunc_end0:
.L_simem_size_0:
called_computation_lowered:
.L_overlay_start_0:
0x88: {  	s2 =	sld [smem:$0x3FD9]  }
0x89: {  	s3 =	sld [smem:$0x3FFE];
	_ =	sdelay $0x1  }
0x8a: {  	s1 =	srdreg.scid  }
0x8b: {  	s0 =	sand.u32 $0x1, s1  }
0x8c: {  	s17 =	sshll.u32 s0, $0xA;
	s2 =	sadd.s32 s3, s2  }
0x8d: {  	s2 =	sadd.s32 s2, s17  }
0x8e: {  	[smem:$0x3FC6] =	sst s2  }
0x8f: {  	_ = 	snop  }
0x90: {  	s2 =	sld [smem:$0x3FC9]  }
0x91: {  	s18 =	sld [smem:$0x3FD0];
	(tm) =	ssettm $0x1  }
0x92: {  	s4 =	sld [smem:$0x3FFB];
	_ =	sdelay $0x3  }
0x93: {  	_ =	strace s4  }
0x94: {  	s4 =	sld [smem:$0x3FFC];
	_ =	sdelay $0x3  }
0x95: {  	_ =	strace s4  }
0x96: {  	s4 =	sld [smem:$0x3FFD];
	_ =	sdelay $0x3  }
0x97: {  	_ =	strace s4  }
0x98: {  	_ =	strace $0x8FFFFFFF  }
0x99: {  	s19 =	sld [smem:$0x3FDB];
	_ =	sdelay $0x1  }
0x9a: {  	s5 =	simm.s32 $_scs_section_size  }
0x9b: {  	s6 =	simm.s32 $_size__tile_overlayer_lowered;
	s7 =	simm.s32 $_tile_overlayer_lowered  }
0x9c: {  	s22 =	simm.s32 $0x1BFF;
	s21 =	sshll.u32 s7, $0x1;
	s4 =	sadd.s32 s5, s19  }
0x9d: {  	s8 =	simm.s32 $0x0;
	s20 =	sshll.u32 s6, $0x1;
	s6 =	sadd.s32 s21, s4  }
0x9e: {  	[timem:s8], [sflag:s22] =	dma.local [hbm:s6], s20  }
0x9f: {  	_ =	swait.ge [sflag:s22], s20  }
0xa0: {  	s5 =	ssub.s32 $0x0, s20;
	[sflag:s22] =	ssyncset.done $0x0  }
0xa1: {  	[sflag:s22] =	ssyncadd.s32 s5;
	_ =	sdelay $0x1  }
0xa2: {  	s23 =	simm.s32 $0x1B8B  }
0xa3: {  	_ =	swait.ge [sflag:s23], $0x1  }
0xa4: {  	[sflag:s23] =	ssyncset.done $0x0  }
0xa5: {  	s25 =	simm.s32 $0x1B8E;
	s24 =	sld [smem:$0x3FFE];
	[sflag:s23] =	ssyncadd.s32 $0xFFFFFFFF  }
0xa6: {  	s26 =	simm.s32 $execute0_lowered;
	[smem:$0x3FD2] =	sst s25  }
0xa7: {  	s6 =	sshll.u32 s26, $0x1;
	_ =	strace $0x80000046;
	[dreg:$0x1] =	wrdreg $0xFFFFFFFF  }
0xa8: {  	s28 =	simm.s32 $_size_execute0_lowered;
	s4 =	sadd.s32 s4, s6;
	[dreg:$0x0] =	wrdreg $0x0  }
0xa9: {  	s6 =	sshll.u32 s28, $0x1;
	[dreg:$0x2] =	wrdreg s4  }
0xaa: {  	[dreg:$0x3] =	wrdreg s6  }
0xab: {  	[dreg:$0x4] =	wrdreg $0xC0  }
0xac: {  	_ =	task [dreg:s8], $0x5FFFF  }
0xad: {  	[dreg:$0x1] =	wrdreg $0xFFFFFFFF  }
0xae: {  	[dreg:$0x0] =	wrdreg $0x60  }
0xaf: {  	[dreg:$0x2] =	wrdreg s2  }
0xb0: {  	[dreg:$0x3] =	wrdreg s24  }
0xb1: {  	[dreg:$0x4] =	wrdreg s18  }
0xb2: {  	[dreg:$0x5] =	wrdreg $0x9  }
0xb3: {  	_ =	task.clear_ibuf [dreg:s8], $0x6FFFF;
	_ =	strace $0x90000046  }
0xb4: {  	s29 =	simm.s32 $0x9;
	_ =	strace $0x80000048  }
0xb5: {  	_ =	swait.ge [sflag:s29], $0x1  }
0xb6: {  	[sflag:s29] =	ssyncadd.s32 $0xFFFFFFFF  }
0xb7: {  	_ =	strace $0x90000048  }
0xb8: {  	_ =	sfence  }
0xb9: {  	s30 =	sld [smem:$0x0];
	_ =	sdelay $0x2  }
0xba: {  	s31 =	sshll.u32 s1, $0xD;
	s1 =	sshrl.u32 s1, $0x2  }
0xbb: {  	s3 =	sand.u32 $0x4000, s31;
	s1 =	sadd.s32 s1, s30  }
0xbc: {  	s0 =	sor.u32 s3, s0;
	s1 =	sshll.u32 s1, $0x11  }
0xbd: {  	s0 =	sor.u32 s1, s0  }
0xbe: {  	s0 =	sadd.s32 $0x8F2B, s0  }
0xbf: {  	[sflag:s0] =	ssyncadd.remote.s32 $0x1  }
0xc0: {  	_ =	sfence.sel $0xFFFF  }
0xc1: {  	[dreg:$0x0] =	wrdreg $0xFFFFFFFF;
	(pc) =	sbr.abs _section_cstart, $3  }
0xc2: {  	[dreg:$0x1] =	wrdreg $0xFFFFFFFF  }
0xc3: {  	_ =	task.clear_ibuf [dreg:s8], $0x2FFFF;
	_ =	strace $0x9FFFFFFF  }
0xc4: {  	(tm) =	ssettm $0x7FFFFFFF  }
0xc5: {  	_ =	shalt  }
tec
execute0_lowered:
.L_overlay_start_1:
0x0: {  	(tag) =	ssettag $0x1  }
0x1: {  	s1 =	rddreg [dreg:$0x0]  }
0x2: {  	s0 =	rddreg [dreg:$0x1]  }
0x3: {  	s3 =	rddreg [dreg:$0x2]  }
0x4: {  	s2 =	srdreg.scid;
	s5 =	stileid.u32;
	s4 =	simm.s32 $0x0  }
0x5: {  	s10 =	simm.s32 $0x2;
	s11 =	simm.s32 $0x13E00;
	s12 =	simm.s32 $0x14600  }
0x6: {  	s13 =	simm.s32 $0x14E00;
	s14 =	simm.s32 $0x15600;
	s15 =	simm.s32 $0x15E00  }
0x7: {  	s16 =	simm.s32 $0x16600;
	s17 =	simm.s32 $0x16E00;
	s2 =	sand.u32 $0x1, s2  }
0x8: {  	s28 =	simm.s32 $0x17E00;
	s6 =	sor.u32 $0x180, s5;
	p0 =	seq.s32 s2, $0x0  }
0x9: {  	[smem:$0x7FF] =	sst s4;
	s7 =	ssub.s32 $0x2, s2;
	s6 =	smov.u32 @p0 s5  }
0xa: {  	s5 =	sadd.s32 $0x400, s0;
	s19 =	sshrl.u32 s7, $0x1;
	s20 =	sshll.u32 s6, $0x4  }
0xb: {  	_ =	strace $0x80000047;
	s0 =	ssub.s32 s7, s19;
	s21 =	sadd.s32 s5, s20  }
0xc: {  	s8 =	sshll.u32 s6, $0x7;
	s0 =	smax.u32 s0, $0x1;
	[dreg:$0x4] =	wrdreg s21  }
0xd: {  	s6 =	sor.u32 $0x18, s2;
	s31 =	sor.u32 $0x1800, s8;
	[dreg:$0xd] =	wrdreg s0  }
0xe: {  	s9 =	sshrl.u32 s8, $0x3;
	s24 =	sadd.s32 $0x100, s21;
	[dreg:$0xe] =	wrdreg s31  }
0xf: {  	s9 =	sadd.s32 s5, s9;
	s2 =	sadd.s32 $0x200, s21;
	[dreg:$0x7] =	wrdreg s24  }
0x10: {  	s18 =	simm.s32 $0x0;
	s22 =	sadd.s32 $0x61A8, s9;
	[dreg:$0xa] =	wrdreg s2  }
0x11: {  	s7 =	simm.s32 $0x17600;
	s23 =	sadd.s32 $0x927C, s9;
	[dreg:$0x5] =	wrdreg s22  }
0x12: {  	s20 =	simm.s32 $0x3;
	s25 =	sadd.s32 $0x62A8, s9;
	[dreg:$0x6] =	wrdreg s23  }
.Ltmp0:
0x13: {  	s26 =	sadd.s32 $0x937C, s9;
	[dreg:$0x8] =	wrdreg s25;
	(pc) =	sbr.rel .LBB2_1-.Ltmp0, $4  }
0x14: {  	s8 =	simm.s32 $0x12E00;
	s29 =	sadd.s32 $0x63A8, s9;
	[dreg:$0x9] =	wrdreg s26  }
0x15: {  	v2 =	vlaneseq.u32;
	s30 =	sadd.s32 $0x947C, s9;
	s24 =	simm.s32 $0x11E00;
	[dreg:$0xb] =	wrdreg s29  }
0x16: {  	vm0 =	vmmov $0xffff;
	v1 =	vshrl.u32 v2, $0x3;
	s9 =	simm.s32 $0x13600;
	[dreg:$0xc] =	wrdreg s30;
	s26 =	simm.s32 $0x1  }
0x17: {  	v0 =	vand.u32 $0x7, v2;
	v2 =	vor.u32 $0x8, v2;
	v1 =	vmul.u32 $0x8, v1;
	s22 =	simm.s32 $0x10E00;
	s23 =	simm.s32 $0x11600;
	s25 =	simm.s32 $0x12600  }
.LBB2_9:
0x18: {  	s0 =	simm.s32 $0x7  }
0x19: {  	_ =	swait.ge [sflag:s0], $0x8000  }
0x1a: {  	[sflag:s0] =	ssyncset.done $0x0  }
0x1b: {  	s30 =	simm.s32 $0x8;
	[sflag:s0] =	ssyncadd.s32 $0xFFFF8000  }
0x1c: {  	_ =	swait.ge [sflag:s30], $0x8000  }
0x1d: {  	[sflag:s30] =	ssyncset.done $0x0  }
0x1e: {  	s2 =	simm.s32 $0x9;
	[sflag:s30] =	ssyncadd.s32 $0xFFFF8000  }
0x1f: {  	_ =	swait.ge [sflag:s2], $0x8000  }
0x20: {  	s18 =	rddreg [dreg:$0xf]  }
0x21: {  	s31 =	rddreg [dreg:$0xd];
	s18 =	sadd.s32 $0x1, s18  }
0x22: {  	p0 =	sne.s32 s18, s31  }
.Ltmp1:
0x23: {  	_ = 	snop;
	(pc) =	sbr.rel @!p0 .LBB2_10-.Ltmp1, $3  }
0x24: {  	_ =	sdelay $0x1  }
0x25: {  	[sflag:s2] =	ssyncset.done $0x0  }
0x26: {  	[sflag:s2] =	ssyncadd.s32 $0xFFFF8000  }
.LBB2_1:
0x27: {  	[dreg:$0xf] =	wrdreg s18  }
0x28: {  	s0 =	rddreg [dreg:$0x4]  }
0x29: {  	[tilespmem:s4], [sflag:$0x1] =	stream.linear.gather [hbm4b:s0+s4], $0x80, $0x38;
	[tilespmem:$0x18600] =	vst v63  }
0x2a: {  	s19 =	rddreg [dreg:$0x5];
	s2 =	simm.s32 $0x80  }
0x2b: {  	[tilespmem:s2], [sflag:$0x1] =	stream.linear.gather [hbm4b:s19+s4], $0x80, $0x38;
	[tilespmem:$0x18600] =	vst v63  }
0x2c: {  	s21 =	rddreg [dreg:$0x6];
	s31 =	simm.s32 $0x100  }
0x2d: {  	[tilespmem:s31], [sflag:$0x1] =	stream.linear.gather [hbm4b:s21+s4], $0x80, $0x38;
	[tilespmem:$0x18600] =	vst v63  }
0x2e: {  	s18 =	rddreg [dreg:$0x7];
	s19 =	simm.s32 $0x180  }
0x2f: {  	[tilespmem:s19], [sflag:$0x2] =	stream.linear.gather [hbm4b:s18+s4], $0x80, $0x38;
	[tilespmem:$0x18600] =	vst v63  }
0x30: {  	s21 =	rddreg [dreg:$0x8];
	s31 =	simm.s32 $0x200  }
0x31: {  	[tilespmem:s31], [sflag:$0x2] =	stream.linear.gather [hbm4b:s21+s4], $0x80, $0x38;
	[tilespmem:$0x18600] =	vst v63  }
0x32: {  	s18 =	rddreg [dreg:$0x9];
	s19 =	simm.s32 $0x280  }
0x33: {  	[tilespmem:s19], [sflag:$0x2] =	stream.linear.gather [hbm4b:s18+s4], $0x80, $0x38;
	[tilespmem:$0x18600] =	vst v63  }
0x34: {  	s21 =	rddreg [dreg:$0xa];
	s31 =	simm.s32 $0x300  }
0x35: {  	[tilespmem:s31], [sflag:$0x3] =	stream.linear.gather [hbm4b:s21+s4], $0x80, $0x38;
	[tilespmem:$0x18600] =	vst v63  }
.Ltmp2:
0x36: {  	s30 =	rddreg [dreg:$0xe];
	(pc) =	sbr.rel .LBB2_2-.Ltmp2, $4  }
0x37: {  	s18 =	rddreg [dreg:$0xb];
	s19 =	simm.s32 $0x380  }
0x38: {  	[tilespmem:s19], [sflag:$0x3] =	stream.linear.gather [hbm4b:s18+s4], $0x80, $0x38;
	[tilespmem:$0x18600] =	vst v63  }
0x39: {  	s29 =	simm.s32 $0x5;
	s21 =	rddreg [dreg:$0xc];
	s31 =	simm.s32 $0x400  }
0x3a: {  	[tilespmem:s31], [sflag:$0x3] =	stream.linear.gather [hbm4b:s21+s4], $0x80, $0x38;
	[tilespmem:$0x18600] =	vst v63  }
.LBB2_8:
0x3b: {  	s18 =	simm.s32 @!p0 $0x4  }
0x3c: {  	_ =	swait.ge @!p0 [sflag:s18], $0x8000  }
0x3d: {  	s2 =	sshll.u32 @!p0 s2, $0x5;
	s19 =	simm.s32 @!p0 $0x600;
	[sflag:s18] =	ssyncset.done @!p0 $0x0  }
0x3e: {  	s2 =	sadd.s32 @!p0 s3, s2;
	[sflag:s18] =	ssyncadd.s32 @!p0 $0xFFFF8000;
	s18 =	simm.s32 @!p0 $0x0  }
0x3f: {  	[hbm4b:s2+s18] =	stream.linear.scatter @!p0 [tilespmem:s19], [sflag:$0x7], $0x8000, $0x38;
	[tilespmem:$0x18600] =	vst v63  }
0x40: {  	s2 =	sadd.s32 @!p0 $0xFFFFFFFE, s29  }
0x41: {  	p4 =	sge.u32 @!p0 s2, s6  }
0x42: {  	p3 =	por p4, p0  }
0x43: {  	p5 =	slt.s32 @!p3 s30, $0x18620  }
0x44: {  	p4 =	por @!p0 !p5, p4  }
0x45: {  	s2 =	smov.u32 s30;
	p0 =	por !p4, p0  }
0x46: {  	s2 =	simm.s32 @!p0 $0x18620  }
0x47: {  	s2 =	sshrl.u32 @!p3 s2, $0x3  }
0x48: {  	s18 =	simm.s32 @!p3 $0x0;
	s2 =	sadd.s32 @!p3 s5, s2  }
0x49: {  	[tilespmem:s18], [sflag:$0x1] =	stream.linear.gather @!p3 [hbm4b:s2+s18], $0x80, $0x38;
	[tilespmem:$0x18600] =	vst v63  }
0x4a: {  	s21 =	simm.s32 @!p3 $0x80;
	s19 =	sadd.s32 @!p3 $0x61A8, s2  }
0x4b: {  	[tilespmem:s21], [sflag:$0x1] =	stream.linear.gather @!p3 [hbm4b:s19+s18], $0x80, $0x38;
	[tilespmem:$0x18600] =	vst v63  }
0x4c: {  	s2 =	sadd.s32 @!p3 $0x927C, s2;
	s19 =	simm.s32 @!p3 $0x100  }
0x4d: {  	[tilespmem:s19], [sflag:$0x1] =	stream.linear.gather @!p3 [hbm4b:s2+s18], $0x80, $0x38;
	[tilespmem:$0x18600] =	vst v63  }
0x4e: {  	s2 =	simm.s32 @!p1 $0x5  }
0x4f: {  	s0 =	sshll.u32 @!p1 s0, $0x5;
	_ =	swait.ge @!p1 [sflag:s2], $0x8000  }
0x50: {  	s0 =	sadd.s32 @!p1 s3, s0;
	[sflag:s2] =	ssyncset.done @!p1 $0x0  }
0x51: {  	s18 =	simm.s32 @!p1 $0x8600;
	[sflag:s2] =	ssyncadd.s32 @!p1 $0xFFFF8000;
	s2 =	simm.s32 @!p1 $0x0  }
0x52: {  	[hbm4b:s0+s2] =	stream.linear.scatter @!p1 [tilespmem:s18], [sflag:$0x8], $0x8000, $0x38;
	[tilespmem:$0x18600] =	vst v63  }
0x53: {  	s0 =	sadd.s32 @!p1 $0xFFFFFFFF, s29  }
0x54: {  	p3 =	sge.u32 @!p1 s0, s6  }
0x55: {  	p0 =	por p3, p1  }
0x56: {  	s0 =	sadd.s32 @!p0 $0x800, s30  }
0x57: {  	p4 =	slt.s32 @!p0 s0, $0x18620  }
0x58: {  	p3 =	por @!p1 !p4, p3  }
0x59: {  	p1 =	por !p3, p1  }
0x5a: {  	s0 =	simm.s32 @!p1 $0x18620  }
0x5b: {  	s0 =	sshrl.u32 @!p0 s0, $0x3  }
0x5c: {  	s2 =	simm.s32 @!p0 $0x0;
	s18 =	simm.s32 @!p0 $0x180;
	s0 =	sadd.s32 @!p0 s5, s0  }
0x5d: {  	[tilespmem:s18], [sflag:$0x2] =	stream.linear.gather @!p0 [hbm4b:s0+s2], $0x80, $0x38;
	[tilespmem:$0x18600] =	vst v63  }
0x5e: {  	s19 =	simm.s32 @!p0 $0x200;
	s18 =	sadd.s32 @!p0 $0x61A8, s0  }
0x5f: {  	[tilespmem:s19], [sflag:$0x2] =	stream.linear.gather @!p0 [hbm4b:s18+s2], $0x80, $0x38;
	[tilespmem:$0x18600] =	vst v63  }
0x60: {  	s0 =	sadd.s32 @!p0 $0x927C, s0;
	s18 =	simm.s32 @!p0 $0x280  }
0x61: {  	[tilespmem:s18], [sflag:$0x2] =	stream.linear.gather @!p0 [hbm4b:s0+s2], $0x80, $0x38;
	[tilespmem:$0x18600] =	vst v63  }
0x62: {  	s0 =	simm.s32 @!p2 $0x6  }
0x63: {  	_ =	swait.ge @!p2 [sflag:s0], $0x8000  }
0x64: {  	p1 =	sge.u32 @!p2 s29, s6;
	[sflag:s0] =	ssyncset.done @!p2 $0x0  }
0x65: {  	s2 =	simm.s32 @!p2 $0x0;
	[sflag:s0] =	ssyncadd.s32 @!p2 $0xFFFF8000;
	s0 =	sshll.u32 @!p2 s31, $0x5  }
0x66: {  	s18 =	simm.s32 @!p2 $0x10600;
	p0 =	por p1, p2;
	s0 =	sadd.s32 @!p2 s3, s0  }
0x67: {  	[hbm4b:s0+s2] =	stream.linear.scatter @!p2 [tilespmem:s18], [sflag:$0x9], $0x8000, $0x38;
	[tilespmem:$0x18600] =	vst v63  }
0x68: {  	s0 =	sadd.s32 @!p0 $0x1000, s30  }
0x69: {  	p3 =	slt.s32 @!p0 s0, $0x18620  }
0x6a: {  	p1 =	por @!p2 !p3, p1  }
0x6b: {  	p1 =	por !p1, p2  }
0x6c: {  	s0 =	simm.s32 @!p1 $0x18620  }
0x6d: {  	s0 =	sshrl.u32 @!p0 s0, $0x3  }
0x6e: {  	s2 =	simm.s32 @!p0 $0x0;
	s18 =	simm.s32 @!p0 $0x300;
	s0 =	sadd.s32 @!p0 s5, s0  }
0x6f: {  	[tilespmem:s18], [sflag:$0x3] =	stream.linear.gather @!p0 [hbm4b:s0+s2], $0x80, $0x38;
	[tilespmem:$0x18600] =	vst v63  }
0x70: {  	s19 =	simm.s32 @!p0 $0x380;
	s18 =	sadd.s32 @!p0 $0x61A8, s0  }
0x71: {  	[tilespmem:s19], [sflag:$0x3] =	stream.linear.gather @!p0 [hbm4b:s18+s2], $0x80, $0x38;
	[tilespmem:$0x18600] =	vst v63  }
0x72: {  	s29 =	sadd.s32 $0x3, s29;
	s0 =	sadd.s32 @!p0 $0x927C, s0;
	s18 =	simm.s32 @!p0 $0x400  }
0x73: {  	[tilespmem:s18], [sflag:$0x3] =	stream.linear.gather @!p0 [hbm4b:s0+s2], $0x80, $0x38;
	[tilespmem:$0x18600] =	vst v63  }
0x74: {  	p0 =	sne.s32 s29, $0x20  }
.Ltmp3:
0x75: {  	_ = 	snop;
	(pc) =	sbr.rel @!p0 .LBB2_9-.Ltmp3, $2  }
0x76: {  	_ =	sdelay $0x2  }
0x77: {  	s30 =	sadd.s32 $0x1800, s30  }
.LBB2_2:
0x78: {  	s0 =	sadd.s32 $0xFFFFFFFB, s29  }
0x79: {  	p0 =	sge.u32 s0, s6  }
.Ltmp4:
0x7a: {  	_ = 	snop;
	(pc) =	sbr.rel @p0 .LBB2_4-.Ltmp4, $1  }
0x7b: {  	_ =	sdelay $0x3  }
0x7c: {  	_ =	swait.ge [sflag:s26], $0x80  }
0x7d: {  	[sflag:s26] =	ssyncset.done $0x0  }
0x7e: {  	[sflag:s26] =	ssyncadd.s32 $0xFFFFFF80  }
0x7f: {  	_ =	swait.ge [sflag:s26], $0x80  }
0x80: {  	[sflag:s26] =	ssyncset.done $0x0  }
0x81: {  	[sflag:s26] =	ssyncadd.s32 $0xFFFFFF80  }
0x82: {  	_ =	swait.ge [sflag:s26], $0x80  }
0x83: {  	[sflag:s26] =	ssyncset.done $0x0  }
0x84: {  	[sflag:s26] =	ssyncadd.s32 $0xFFFFFF80  }
0x85: {  	v3 =	vld [tilespmem:$0x0]  }
0x86: {  	v4 =	vld [tilespmem:$0x80]  }
0x87: {  	v6 =	vld [tilespmem:$0x10]  }
0x88: {  	v7 =	vld [tilespmem:$0x90]  }
0x89: {  	v8 =	vld [tilespmem:$0x110]  }
0x8a: {  	v9 =	vld [tilespmem:$0x20]  }
0x8b: {  	v10 =	vld [tilespmem:$0xA0]  }
0x8c: {  	v12 =	vld [tilespmem:$0x30]  }
0x8d: {  	v13 =	vld [tilespmem:$0xB0]  }
0x8e: {  	v15 =	vld [tilespmem:$0x40]  }
0x8f: {  	v16 =	vld [tilespmem:$0xC0]  }
0x90: {  	v18 =	vld [tilespmem:$0x50]  }
0x91: {  	v19 =	vld [tilespmem:$0xD0]  }
0x92: {  	v35 =	vld [tilespmem:$0x60]  }
0x93: {  	v38 =	vld [tilespmem:$0xE0]  }
0x94: {  	v41 =	vld [tilespmem:$0x70];
	v3 =	vmul.u32 $0x8980, v3  }
0x95: {  	v42 =	vld [tilespmem:$0xF0];
	v4 =	vmul.u32 $0xB0, v4;
	v6 =	vmul.u32 $0x8980, v6;
	v7 =	vmul.u32 $0xB0, v7  }
0x96: {  	v5 =	vld [tilespmem:$0x100];
	v33 =	vmul.u32 $0x8980, v9;
	v34 =	vmul.u32 $0xB0, v10;
	v36 =	vmul.u32 $0x8980, v12  }
0x97: {  	v11 =	vld [tilespmem:$0x120];
	v37 =	vmul.u32 $0xB0, v13;
	v39 =	vmul.u32 $0x8980, v15;
	v40 =	vmul.u32 $0xB0, v16  }
0x98: {  	v14 =	vld [tilespmem:$0x130];
	v43 =	vmul.u32 $0x8980, v18;
	v44 =	vmul.u32 $0xB0, v19;
	v10 =	vmul.u32 $0x8980, v35  }
0x99: {  	v17 =	vld [tilespmem:$0x140];
	v50 =	vmul.u32 $0xB0, v38;
	v51 =	vmul.u32 $0x8980, v41;
	v6 =	vadd.s32 v6, v7  }
0x9a: {  	v45 =	vld [tilespmem:$0x150];
	v52 =	vmul.u32 $0xB0, v42;
	v3 =	vadd.s32 v3, v4;
	v6 =	vadd.s32 v8, v6  }
0x9b: {  	v48 =	vld [tilespmem:$0x160];
	v4 =	vadd.s32 v33, v34;
	v7 =	vadd.s32 v36, v37;
	v3 =	vadd.s32 v5, v3;
	[tilespmem:$0x490] =	vst v6  }
0x9c: {  	v49 =	vld [tilespmem:$0x170];
	v9 =	vadd.s32 v39, v40;
	v4 =	vadd.s32 v11, v4;
	[tilespmem:$0x480] =	vst v3;
	v3 =	vshll.u32 v3, $0x1  }
0x9d: {  	v46 =	vadd.s32 v14, v7;
	v5 =	vand.u32 $0x7, v5;
	[tilespmem:$0x4A0] =	vst v4;
	v3 =	vand.u32 $0xFFFFFFF0, v3  }
0x9e: {  	v47 =	vadd.s32 v17, v9;
	v11 =	vadd.s32 v43, v44;
	[tilespmem:$0x4B0] =	vst v46;
	v3 =	vor.u32 v5, v3  }
0x9f: {  	[tilespmem:$0x4C0] =	vst v47;
	v53 =	vadd.s32 v45, v11;
	v4 =	vadd.s32 v10, v50;
	v54 =	vperm.xlane v3, v0  }
0xa0: {  	[tilespmem:$0x4D0] =	vst v53;
	v4 =	vadd.s32 v48, v4;
	v5 =	vadd.s32 v51, v52  }
0xa1: {  	p1 =	seq.s32 s29, $0x5;
	[tilespmem:$0x4E0] =	vst v4;
	v55 =	vadd.s32 v49, v5;
	v3 =	vperm.xlane v3, v2;
	v56 =	vadd.s32 v1, v54  }
0xa2: {  	s0 =	simm.s32 @!p1 $0x7;
	[tilespmem:$0x4F0] =	vst v55  }
0xa3: {  	_ =	swait.ge @!p1 [sflag:s0], $0x8000;
	v3 =	vadd.s32 v1, v3  }
0xa4: {  	[sflag:s0] =	ssyncset.done @!p1 $0x0  }
0xa5: {  	s31 =	simm.s32 $0x600;
	[sflag:s0] =	ssyncadd.s32 @!p1 $0xFFFF8000  }
0xa6: {  	[tilespmem:s31], [sflag:$0x4] =	stream.indirect_vreg.gather [hbm4b:s1+s4], $0x80, v56, vm0, $0xb8;
	[tilespmem:$0x18600] =	vst v63  }
0xa7: {  	s2 =	simm.s32 $0xE00  }
0xa8: {  	[tilespmem:s2], [sflag:$0x4] =	stream.indirect_vreg.gather [hbm4b:s1+s4], $0x80, v3, vm0, $0xb8;
	[tilespmem:$0x18600] =	vst v63  }
0xa9: {  	v3 =	vld [tilespmem:$0x490];
	_ =	sdelay $0x4  }
0xaa: {  	v57 =	vshll.u32 v3, $0x1  }
0xab: {  	v3 =	vand.u32 $0x7, v3;
	v4 =	vand.u32 $0xFFFFFFF0, v57  }
0xac: {  	v3 =	vor.u32 v3, v4  }
0xad: {  	v4 =	vperm.xlane v3, v0;
	_ =	sdelay $0x1  }
0xae: {  	v3 =	vperm.xlane v3, v2;
	v4 =	vadd.s32 v1, v4;
	_ =	sdelay $0x1  }
0xaf: {  	v3 =	vadd.s32 v1, v3;
	_ =	sdelay $0x1  }
0xb0: {  	s18 =	simm.s32 $0x1600  }
0xb1: {  	[tilespmem:s18], [sflag:$0x4] =	stream.indirect_vreg.gather [hbm4b:s1+s4], $0x80, v4, vm0, $0xb8;
	[tilespmem:$0x18600] =	vst v63  }
0xb2: {  	s19 =	simm.s32 $0x1E00  }
0xb3: {  	[tilespmem:s19], [sflag:$0x4] =	stream.indirect_vreg.gather [hbm4b:s1+s4], $0x80, v3, vm0, $0xb8;
	[tilespmem:$0x18600] =	vst v63  }
0xb4: {  	v3 =	vld [tilespmem:$0x4A0];
	_ =	sdelay $0x4  }
0xb5: {  	v58 =	vshll.u32 v3, $0x1  }
0xb6: {  	v3 =	vand.u32 $0x7, v3;
	v4 =	vand.u32 $0xFFFFFFF0, v58  }
0xb7: {  	v3 =	vor.u32 v3, v4  }
0xb8: {  	v4 =	vperm.xlane v3, v0;
	_ =	sdelay $0x1  }
0xb9: {  	v3 =	vperm.xlane v3, v2;
	v4 =	vadd.s32 v1, v4;
	_ =	sdelay $0x1  }
0xba: {  	v3 =	vadd.s32 v1, v3;
	_ =	sdelay $0x1  }
0xbb: {  	s21 =	simm.s32 $0x2600  }
0xbc: {  	[tilespmem:s21], [sflag:$0x4] =	stream.indirect_vreg.gather [hbm4b:s1+s4], $0x80, v4, vm0, $0xb8;
	[tilespmem:$0x18600] =	vst v63  }
0xbd: {  	s31 =	simm.s32 $0x2E00  }
0xbe: {  	[tilespmem:s31], [sflag:$0x4] =	stream.indirect_vreg.gather [hbm4b:s1+s4], $0x80, v3, vm0, $0xb8;
	[tilespmem:$0x18600] =	vst v63  }
0xbf: {  	v3 =	vld [tilespmem:$0x4B0];
	_ =	sdelay $0x4  }
0xc0: {  	v59 =	vshll.u32 v3, $0x1  }
0xc1: {  	v3 =	vand.u32 $0x7, v3;
	v4 =	vand.u32 $0xFFFFFFF0, v59  }
0xc2: {  	v3 =	vor.u32 v3, v4  }
0xc3: {  	v4 =	vperm.xlane v3, v0;
	_ =	sdelay $0x1  }
0xc4: {  	v3 =	vperm.xlane v3, v2;
	v4 =	vadd.s32 v1, v4;
	_ =	sdelay $0x1  }
0xc5: {  	v3 =	vadd.s32 v1, v3;
	_ =	sdelay $0x1  }
0xc6: {  	s2 =	simm.s32 $0x3600  }
0xc7: {  	[tilespmem:s2], [sflag:$0x4] =	stream.indirect_vreg.gather [hbm4b:s1+s4], $0x80, v4, vm0, $0xb8;
	[tilespmem:$0x18600] =	vst v63  }
0xc8: {  	s18 =	simm.s32 $0x3E00  }
0xc9: {  	[tilespmem:s18], [sflag:$0x4] =	stream.indirect_vreg.gather [hbm4b:s1+s4], $0x80, v3, vm0, $0xb8;
	[tilespmem:$0x18600] =	vst v63  }
0xca: {  	v3 =	vld [tilespmem:$0x4C0];
	_ =	sdelay $0x4  }
0xcb: {  	v60 =	vshll.u32 v3, $0x1  }
0xcc: {  	v3 =	vand.u32 $0x7, v3;
	v4 =	vand.u32 $0xFFFFFFF0, v60  }
0xcd: {  	v3 =	vor.u32 v3, v4  }
0xce: {  	v4 =	vperm.xlane v3, v0;
	_ =	sdelay $0x1  }
0xcf: {  	v3 =	vperm.xlane v3, v2;
	v4 =	vadd.s32 v1, v4;
	_ =	sdelay $0x1  }
0xd0: {  	v3 =	vadd.s32 v1, v3;
	_ =	sdelay $0x1  }
0xd1: {  	s19 =	simm.s32 $0x4600  }
0xd2: {  	[tilespmem:s19], [sflag:$0x4] =	stream.indirect_vreg.gather [hbm4b:s1+s4], $0x80, v4, vm0, $0xb8;
	[tilespmem:$0x18600] =	vst v63  }
0xd3: {  	s21 =	simm.s32 $0x4E00  }
0xd4: {  	[tilespmem:s21], [sflag:$0x4] =	stream.indirect_vreg.gather [hbm4b:s1+s4], $0x80, v3, vm0, $0xb8;
	[tilespmem:$0x18600] =	vst v63  }
0xd5: {  	v3 =	vld [tilespmem:$0x4D0];
	_ =	sdelay $0x4  }
0xd6: {  	v61 =	vshll.u32 v3, $0x1  }
0xd7: {  	v3 =	vand.u32 $0x7, v3;
	v4 =	vand.u32 $0xFFFFFFF0, v61  }
0xd8: {  	v3 =	vor.u32 v3, v4  }
0xd9: {  	v4 =	vperm.xlane v3, v0;
	_ =	sdelay $0x1  }
0xda: {  	v3 =	vperm.xlane v3, v2;
	v4 =	vadd.s32 v1, v4;
	_ =	sdelay $0x1  }
0xdb: {  	v3 =	vadd.s32 v1, v3;
	_ =	sdelay $0x1  }
0xdc: {  	s31 =	simm.s32 $0x5600  }
0xdd: {  	[tilespmem:s31], [sflag:$0x4] =	stream.indirect_vreg.gather [hbm4b:s1+s4], $0x80, v4, vm0, $0xb8;
	[tilespmem:$0x18600] =	vst v63  }
0xde: {  	s2 =	simm.s32 $0x5E00  }
0xdf: {  	[tilespmem:s2], [sflag:$0x4] =	stream.indirect_vreg.gather [hbm4b:s1+s4], $0x80, v3, vm0, $0xb8;
	[tilespmem:$0x18600] =	vst v63  }
0xe0: {  	v3 =	vld [tilespmem:$0x4E0];
	_ =	sdelay $0x4  }
0xe1: {  	v62 =	vshll.u32 v3, $0x1  }
0xe2: {  	v3 =	vand.u32 $0x7, v3;
	v4 =	vand.u32 $0xFFFFFFF0, v62  }
0xe3: {  	v3 =	vor.u32 v3, v4  }
0xe4: {  	v4 =	vperm.xlane v3, v0;
	_ =	sdelay $0x1  }
0xe5: {  	v3 =	vperm.xlane v3, v2;
	v4 =	vadd.s32 v1, v4;
	_ =	sdelay $0x1  }
0xe6: {  	v3 =	vadd.s32 v1, v3;
	_ =	sdelay $0x1  }
0xe7: {  	s18 =	simm.s32 $0x6600  }
0xe8: {  	[tilespmem:s18], [sflag:$0x4] =	stream.indirect_vreg.gather [hbm4b:s1+s4], $0x80, v4, vm0, $0xb8;
	[tilespmem:$0x18600] =	vst v63  }
0xe9: {  	s19 =	simm.s32 $0x6E00  }
0xea: {  	[tilespmem:s19], [sflag:$0x4] =	stream.indirect_vreg.gather [hbm4b:s1+s4], $0x80, v3, vm0, $0xb8;
	[tilespmem:$0x18600] =	vst v63  }
0xeb: {  	v3 =	vld [tilespmem:$0x4F0];
	_ =	sdelay $0x4  }
0xec: {  	v63 =	vshll.u32 v3, $0x1  }
0xed: {  	v3 =	vand.u32 $0x7, v3;
	v4 =	vand.u32 $0xFFFFFFF0, v63  }
0xee: {  	v3 =	vor.u32 v3, v4  }
0xef: {  	v4 =	vperm.xlane v3, v0;
	_ =	sdelay $0x1  }
0xf0: {  	v3 =	vperm.xlane v3, v2;
	v4 =	vadd.s32 v1, v4;
	_ =	sdelay $0x1  }
0xf1: {  	v3 =	vadd.s32 v1, v3;
	_ =	sdelay $0x1  }
0xf2: {  	s21 =	simm.s32 $0x7600  }
0xf3: {  	[tilespmem:s21], [sflag:$0x4] =	stream.indirect_vreg.gather [hbm4b:s1+s4], $0x80, v4, vm0, $0xb8;
	[tilespmem:$0x18600] =	vst v63  }
0xf4: {  	s31 =	simm.s32 $0x7E00  }
0xf5: {  	[tilespmem:s31], [sflag:$0x4] =	stream.indirect_vreg.gather [hbm4b:s1+s4], $0x80, v3, vm0, $0xb8;
	[tilespmem:$0x18600] =	vst v63  }
.LBB2_4:
0xf6: {  	s0 =	sadd.s32 $0xFFFFFFFC, s29  }
0xf7: {  	p1 =	sge.u32 s0, s6  }
.Ltmp5:
0xf8: {  	_ = 	snop;
	(pc) =	sbr.rel @p1 .LBB2_6-.Ltmp5, $1  }
0xf9: {  	_ =	sdelay $0x3  }
0xfa: {  	_ =	swait.ge [sflag:s10], $0x80  }
0xfb: {  	[sflag:s10] =	ssyncset.done $0x0  }
0xfc: {  	[sflag:s10] =	ssyncadd.s32 $0xFFFFFF80  }
0xfd: {  	_ =	swait.ge [sflag:s10], $0x80  }
0xfe: {  	[sflag:s10] =	ssyncset.done $0x0  }
0xff: {  	[sflag:s10] =	ssyncadd.s32 $0xFFFFFF80  }
0x100: {  	_ =	swait.ge [sflag:s10], $0x80  }
0x101: {  	[sflag:s10] =	ssyncset.done $0x0  }
0x102: {  	[sflag:s10] =	ssyncadd.s32 $0xFFFFFF80  }
0x103: {  	v3 =	vld [tilespmem:$0x180]  }
0x104: {  	v4 =	vld [tilespmem:$0x200]  }
0x105: {  	v6 =	vld [tilespmem:$0x190]  }
0x106: {  	v7 =	vld [tilespmem:$0x210]  }
0x107: {  	v8 =	vld [tilespmem:$0x290]  }
0x108: {  	v9 =	vld [tilespmem:$0x1A0]  }
0x109: {  	v10 =	vld [tilespmem:$0x220]  }
0x10a: {  	v12 =	vld [tilespmem:$0x1B0]  }
0x10b: {  	v13 =	vld [tilespmem:$0x230]  }
0x10c: {  	v15 =	vld [tilespmem:$0x1C0]  }
0x10d: {  	v16 =	vld [tilespmem:$0x240]  }
0x10e: {  	v18 =	vld [tilespmem:$0x1D0]  }
0x10f: {  	v19 =	vld [tilespmem:$0x250]  }
0x110: {  	v35 =	vld [tilespmem:$0x1E0]  }
0x111: {  	v38 =	vld [tilespmem:$0x260]  }
0x112: {  	v41 =	vld [tilespmem:$0x1F0];
	v3 =	vmul.u32 $0x8980, v3  }
0x113: {  	v42 =	vld [tilespmem:$0x270];
	v4 =	vmul.u32 $0xB0, v4;
	v6 =	vmul.u32 $0x8980, v6;
	v7 =	vmul.u32 $0xB0, v7  }
0x114: {  	v5 =	vld [tilespmem:$0x280];
	v33 =	vmul.u32 $0x8980, v9;
	v34 =	vmul.u32 $0xB0, v10;
	v36 =	vmul.u32 $0x8980, v12  }
0x115: {  	v11 =	vld [tilespmem:$0x2A0];
	v37 =	vmul.u32 $0xB0, v13;
	v39 =	vmul.u32 $0x8980, v15;
	v40 =	vmul.u32 $0xB0, v16  }
0x116: {  	v14 =	vld [tilespmem:$0x2B0];
	v43 =	vmul.u32 $0x8980, v18;
	v44 =	vmul.u32 $0xB0, v19;
	v10 =	vmul.u32 $0x8980, v35  }
0x117: {  	v17 =	vld [tilespmem:$0x2C0];
	v50 =	vmul.u32 $0xB0, v38;
	v51 =	vmul.u32 $0x8980, v41;
	v6 =	vadd.s32 v6, v7  }
0x118: {  	v45 =	vld [tilespmem:$0x2D0];
	v52 =	vmul.u32 $0xB0, v42;
	v3 =	vadd.s32 v3, v4;
	v6 =	vadd.s32 v8, v6  }
0x119: {  	v48 =	vld [tilespmem:$0x2E0];
	v4 =	vadd.s32 v33, v34;
	v7 =	vadd.s32 v36, v37;
	v3 =	vadd.s32 v5, v3;
	[tilespmem:$0x510] =	vst v6  }
0x11a: {  	v49 =	vld [tilespmem:$0x2F0];
	v9 =	vadd.s32 v39, v40;
	v4 =	vadd.s32 v11, v4;
	[tilespmem:$0x500] =	vst v3;
	v3 =	vshll.u32 v3, $0x1  }
0x11b: {  	v46 =	vadd.s32 v14, v7;
	v5 =	vand.u32 $0x7, v5;
	[tilespmem:$0x520] =	vst v4;
	v3 =	vand.u32 $0xFFFFFFF0, v3  }
0x11c: {  	v47 =	vadd.s32 v17, v9;
	v11 =	vadd.s32 v43, v44;
	[tilespmem:$0x530] =	vst v46;
	v3 =	vor.u32 v5, v3  }
0x11d: {  	[tilespmem:$0x540] =	vst v47;
	v53 =	vadd.s32 v45, v11;
	v4 =	vadd.s32 v10, v50;
	v54 =	vperm.xlane v3, v0  }
0x11e: {  	[tilespmem:$0x550] =	vst v53;
	v4 =	vadd.s32 v48, v4;
	v5 =	vadd.s32 v51, v52  }
0x11f: {  	p2 =	seq.s32 s29, $0x5;
	[tilespmem:$0x560] =	vst v4;
	v55 =	vadd.s32 v49, v5;
	v3 =	vperm.xlane v3, v2;
	v56 =	vadd.s32 v1, v54  }
0x120: {  	s0 =	simm.s32 @!p2 $0x8;
	[tilespmem:$0x570] =	vst v55  }
0x121: {  	_ =	swait.ge @!p2 [sflag:s0], $0x8000;
	v3 =	vadd.s32 v1, v3  }
0x122: {  	[sflag:s0] =	ssyncset.done @!p2 $0x0  }
0x123: {  	s31 =	simm.s32 $0x8600;
	[sflag:s0] =	ssyncadd.s32 @!p2 $0xFFFF8000  }
0x124: {  	[tilespmem:s31], [sflag:$0x5] =	stream.indirect_vreg.gather [hbm4b:s1+s4], $0x80, v56, vm0, $0xb8;
	[tilespmem:$0x18600] =	vst v63  }
0x125: {  	s2 =	simm.s32 $0x8E00  }
0x126: {  	[tilespmem:s2], [sflag:$0x5] =	stream.indirect_vreg.gather [hbm4b:s1+s4], $0x80, v3, vm0, $0xb8;
	[tilespmem:$0x18600] =	vst v63  }
0x127: {  	v3 =	vld [tilespmem:$0x510];
	_ =	sdelay $0x4  }
0x128: {  	v57 =	vshll.u32 v3, $0x1  }
0x129: {  	v3 =	vand.u32 $0x7, v3;
	v4 =	vand.u32 $0xFFFFFFF0, v57  }
0x12a: {  	v3 =	vor.u32 v3, v4  }
0x12b: {  	v4 =	vperm.xlane v3, v0;
	_ =	sdelay $0x1  }
0x12c: {  	v3 =	vperm.xlane v3, v2;
	v4 =	vadd.s32 v1, v4;
	_ =	sdelay $0x1  }
0x12d: {  	v3 =	vadd.s32 v1, v3;
	_ =	sdelay $0x1  }
0x12e: {  	s18 =	simm.s32 $0x9600  }
0x12f: {  	[tilespmem:s18], [sflag:$0x5] =	stream.indirect_vreg.gather [hbm4b:s1+s4], $0x80, v4, vm0, $0xb8;
	[tilespmem:$0x18600] =	vst v63  }
0x130: {  	s19 =	simm.s32 $0x9E00  }
0x131: {  	[tilespmem:s19], [sflag:$0x5] =	stream.indirect_vreg.gather [hbm4b:s1+s4], $0x80, v3, vm0, $0xb8;
	[tilespmem:$0x18600] =	vst v63  }
0x132: {  	v3 =	vld [tilespmem:$0x520];
	_ =	sdelay $0x4  }
0x133: {  	v58 =	vshll.u32 v3, $0x1  }
0x134: {  	v3 =	vand.u32 $0x7, v3;
	v4 =	vand.u32 $0xFFFFFFF0, v58  }
0x135: {  	v3 =	vor.u32 v3, v4  }
0x136: {  	v4 =	vperm.xlane v3, v0;
	_ =	sdelay $0x1  }
0x137: {  	v3 =	vperm.xlane v3, v2;
	v4 =	vadd.s32 v1, v4;
	_ =	sdelay $0x1  }
0x138: {  	v3 =	vadd.s32 v1, v3;
	_ =	sdelay $0x1  }
0x139: {  	s21 =	simm.s32 $0xA600  }
0x13a: {  	[tilespmem:s21], [sflag:$0x5] =	stream.indirect_vreg.gather [hbm4b:s1+s4], $0x80, v4, vm0, $0xb8;
	[tilespmem:$0x18600] =	vst v63  }
0x13b: {  	s31 =	simm.s32 $0xAE00  }
0x13c: {  	[tilespmem:s31], [sflag:$0x5] =	stream.indirect_vreg.gather [hbm4b:s1+s4], $0x80, v3, vm0, $0xb8;
	[tilespmem:$0x18600] =	vst v63  }
0x13d: {  	v3 =	vld [tilespmem:$0x530];
	_ =	sdelay $0x4  }
0x13e: {  	v59 =	vshll.u32 v3, $0x1  }
0x13f: {  	v3 =	vand.u32 $0x7, v3;
	v4 =	vand.u32 $0xFFFFFFF0, v59  }
0x140: {  	v3 =	vor.u32 v3, v4  }
0x141: {  	v4 =	vperm.xlane v3, v0;
	_ =	sdelay $0x1  }
0x142: {  	v3 =	vperm.xlane v3, v2;
	v4 =	vadd.s32 v1, v4;
	_ =	sdelay $0x1  }
0x143: {  	v3 =	vadd.s32 v1, v3;
	_ =	sdelay $0x1  }
0x144: {  	s2 =	simm.s32 $0xB600  }
0x145: {  	[tilespmem:s2], [sflag:$0x5] =	stream.indirect_vreg.gather [hbm4b:s1+s4], $0x80, v4, vm0, $0xb8;
	[tilespmem:$0x18600] =	vst v63  }
0x146: {  	s18 =	simm.s32 $0xBE00  }
0x147: {  	[tilespmem:s18], [sflag:$0x5] =	stream.indirect_vreg.gather [hbm4b:s1+s4], $0x80, v3, vm0, $0xb8;
	[tilespmem:$0x18600] =	vst v63  }
0x148: {  	v3 =	vld [tilespmem:$0x540];
	_ =	sdelay $0x4  }
0x149: {  	v60 =	vshll.u32 v3, $0x1  }
0x14a: {  	v3 =	vand.u32 $0x7, v3;
	v4 =	vand.u32 $0xFFFFFFF0, v60  }
0x14b: {  	v3 =	vor.u32 v3, v4  }
0x14c: {  	v4 =	vperm.xlane v3, v0;
	_ =	sdelay $0x1  }
0x14d: {  	v3 =	vperm.xlane v3, v2;
	v4 =	vadd.s32 v1, v4;
	_ =	sdelay $0x1  }
0x14e: {  	v3 =	vadd.s32 v1, v3;
	_ =	sdelay $0x1  }
0x14f: {  	s19 =	simm.s32 $0xC600  }
0x150: {  	[tilespmem:s19], [sflag:$0x5] =	stream.indirect_vreg.gather [hbm4b:s1+s4], $0x80, v4, vm0, $0xb8;
	[tilespmem:$0x18600] =	vst v63  }
0x151: {  	s21 =	simm.s32 $0xCE00  }
0x152: {  	[tilespmem:s21], [sflag:$0x5] =	stream.indirect_vreg.gather [hbm4b:s1+s4], $0x80, v3, vm0, $0xb8;
	[tilespmem:$0x18600] =	vst v63  }
0x153: {  	v3 =	vld [tilespmem:$0x550];
	_ =	sdelay $0x4  }
0x154: {  	v61 =	vshll.u32 v3, $0x1  }
0x155: {  	v3 =	vand.u32 $0x7, v3;
	v4 =	vand.u32 $0xFFFFFFF0, v61  }
0x156: {  	v3 =	vor.u32 v3, v4  }
0x157: {  	v4 =	vperm.xlane v3, v0;
	_ =	sdelay $0x1  }
0x158: {  	v3 =	vperm.xlane v3, v2;
	v4 =	vadd.s32 v1, v4;
	_ =	sdelay $0x1  }
0x159: {  	v3 =	vadd.s32 v1, v3;
	_ =	sdelay $0x1  }
0x15a: {  	s31 =	simm.s32 $0xD600  }
0x15b: {  	[tilespmem:s31], [sflag:$0x5] =	stream.indirect_vreg.gather [hbm4b:s1+s4], $0x80, v4, vm0, $0xb8;
	[tilespmem:$0x18600] =	vst v63  }
0x15c: {  	s2 =	simm.s32 $0xDE00  }
0x15d: {  	[tilespmem:s2], [sflag:$0x5] =	stream.indirect_vreg.gather [hbm4b:s1+s4], $0x80, v3, vm0, $0xb8;
	[tilespmem:$0x18600] =	vst v63  }
0x15e: {  	v3 =	vld [tilespmem:$0x560];
	_ =	sdelay $0x4  }
0x15f: {  	v62 =	vshll.u32 v3, $0x1  }
0x160: {  	v3 =	vand.u32 $0x7, v3;
	v4 =	vand.u32 $0xFFFFFFF0, v62  }
0x161: {  	v3 =	vor.u32 v3, v4  }
0x162: {  	v4 =	vperm.xlane v3, v0;
	_ =	sdelay $0x1  }
0x163: {  	v3 =	vperm.xlane v3, v2;
	v4 =	vadd.s32 v1, v4;
	_ =	sdelay $0x1  }
0x164: {  	v3 =	vadd.s32 v1, v3;
	_ =	sdelay $0x1  }
0x165: {  	s18 =	simm.s32 $0xE600  }
0x166: {  	[tilespmem:s18], [sflag:$0x5] =	stream.indirect_vreg.gather [hbm4b:s1+s4], $0x80, v4, vm0, $0xb8;
	[tilespmem:$0x18600] =	vst v63  }
0x167: {  	s19 =	simm.s32 $0xEE00  }
0x168: {  	[tilespmem:s19], [sflag:$0x5] =	stream.indirect_vreg.gather [hbm4b:s1+s4], $0x80, v3, vm0, $0xb8;
	[tilespmem:$0x18600] =	vst v63  }
0x169: {  	v3 =	vld [tilespmem:$0x570];
	_ =	sdelay $0x4  }
0x16a: {  	v63 =	vshll.u32 v3, $0x1  }
0x16b: {  	v3 =	vand.u32 $0x7, v3;
	v4 =	vand.u32 $0xFFFFFFF0, v63  }
0x16c: {  	v3 =	vor.u32 v3, v4  }
0x16d: {  	v4 =	vperm.xlane v3, v0;
	_ =	sdelay $0x1  }
0x16e: {  	v3 =	vperm.xlane v3, v2;
	v4 =	vadd.s32 v1, v4;
	_ =	sdelay $0x1  }
0x16f: {  	v3 =	vadd.s32 v1, v3;
	_ =	sdelay $0x1  }
0x170: {  	s21 =	simm.s32 $0xF600  }
0x171: {  	[tilespmem:s21], [sflag:$0x5] =	stream.indirect_vreg.gather [hbm4b:s1+s4], $0x80, v4, vm0, $0xb8;
	[tilespmem:$0x18600] =	vst v63  }
0x172: {  	s31 =	simm.s32 $0xFE00  }
0x173: {  	[tilespmem:s31], [sflag:$0x5] =	stream.indirect_vreg.gather [hbm4b:s1+s4], $0x80, v3, vm0, $0xb8;
	[tilespmem:$0x18600] =	vst v63  }
.LBB2_6:
0x174: {  	s2 =	sadd.s32 $0xFFFFE800, s30  }
0x175: {  	s18 =	sadd.s32 $0xFFFFFFFD, s29;
	p2 =	slt.s32 s2, $0x18620  }
0x176: {  	s2 =	simm.s32 @!p2 $0x18620;
	p2 =	sge.u32 s18, s6  }
.Ltmp6:
0x177: {  	_ = 	snop;
	(pc) =	sbr.rel @p2 .LBB2_8-.Ltmp6, $4  }
0x178: {  	_ = 	snop  }
0x179: {  	s0 =	sadd.s32 $0xFFFFF000, s30;
	s31 =	sadd.s32 $0xFFFFF800, s30  }
0x17a: {  	p3 =	slt.s32 s0, $0x18620;
	p4 =	slt.s32 s31, $0x18620  }
0x17b: {  	s0 =	simm.s32 @!p3 $0x18620;
	s31 =	simm.s32 @!p4 $0x18620  }
0x17c: {  	_ =	swait.ge [sflag:s20], $0x80  }
0x17d: {  	[sflag:s20] =	ssyncset.done $0x0  }
0x17e: {  	[sflag:s20] =	ssyncadd.s32 $0xFFFFFF80  }
0x17f: {  	_ =	swait.ge [sflag:s20], $0x80  }
0x180: {  	[sflag:s20] =	ssyncset.done $0x0  }
0x181: {  	[sflag:s20] =	ssyncadd.s32 $0xFFFFFF80  }
0x182: {  	_ =	swait.ge [sflag:s20], $0x80  }
0x183: {  	[sflag:s20] =	ssyncset.done $0x0  }
0x184: {  	[sflag:s20] =	ssyncadd.s32 $0xFFFFFF80  }
0x185: {  	v3 =	vld [tilespmem:$0x300]  }
0x186: {  	v4 =	vld [tilespmem:$0x380]  }
0x187: {  	v6 =	vld [tilespmem:$0x310]  }
0x188: {  	v7 =	vld [tilespmem:$0x390]  }
0x189: {  	v8 =	vld [tilespmem:$0x410]  }
0x18a: {  	v9 =	vld [tilespmem:$0x320]  }
0x18b: {  	v10 =	vld [tilespmem:$0x3A0]  }
0x18c: {  	v12 =	vld [tilespmem:$0x330]  }
0x18d: {  	v13 =	vld [tilespmem:$0x3B0]  }
0x18e: {  	v15 =	vld [tilespmem:$0x340]  }
0x18f: {  	v16 =	vld [tilespmem:$0x3C0]  }
0x190: {  	v18 =	vld [tilespmem:$0x350]  }
0x191: {  	v19 =	vld [tilespmem:$0x3D0]  }
0x192: {  	v35 =	vld [tilespmem:$0x360]  }
0x193: {  	v38 =	vld [tilespmem:$0x3E0]  }
0x194: {  	v41 =	vld [tilespmem:$0x370];
	v3 =	vmul.u32 $0x8980, v3  }
0x195: {  	v42 =	vld [tilespmem:$0x3F0];
	v4 =	vmul.u32 $0xB0, v4;
	v6 =	vmul.u32 $0x8980, v6;
	v7 =	vmul.u32 $0xB0, v7  }
0x196: {  	v5 =	vld [tilespmem:$0x400];
	v33 =	vmul.u32 $0x8980, v9;
	v34 =	vmul.u32 $0xB0, v10;
	v36 =	vmul.u32 $0x8980, v12  }
0x197: {  	v11 =	vld [tilespmem:$0x420];
	v37 =	vmul.u32 $0xB0, v13;
	v39 =	vmul.u32 $0x8980, v15;
	v40 =	vmul.u32 $0xB0, v16  }
0x198: {  	v14 =	vld [tilespmem:$0x430];
	v43 =	vmul.u32 $0x8980, v18;
	v44 =	vmul.u32 $0xB0, v19;
	v10 =	vmul.u32 $0x8980, v35  }
0x199: {  	v17 =	vld [tilespmem:$0x440];
	v50 =	vmul.u32 $0xB0, v38;
	v51 =	vmul.u32 $0x8980, v41;
	v6 =	vadd.s32 v6, v7  }
0x19a: {  	v45 =	vld [tilespmem:$0x450];
	v52 =	vmul.u32 $0xB0, v42;
	v3 =	vadd.s32 v3, v4;
	v6 =	vadd.s32 v8, v6  }
0x19b: {  	v48 =	vld [tilespmem:$0x460];
	v4 =	vadd.s32 v33, v34;
	v7 =	vadd.s32 v36, v37;
	v3 =	vadd.s32 v5, v3;
	[tilespmem:$0x590] =	vst v6  }
0x19c: {  	v49 =	vld [tilespmem:$0x470];
	v9 =	vadd.s32 v39, v40;
	v4 =	vadd.s32 v11, v4;
	[tilespmem:$0x580] =	vst v3;
	v3 =	vshll.u32 v3, $0x1  }
0x19d: {  	v46 =	vadd.s32 v14, v7;
	v5 =	vand.u32 $0x7, v5;
	[tilespmem:$0x5A0] =	vst v4;
	v3 =	vand.u32 $0xFFFFFFF0, v3  }
0x19e: {  	v47 =	vadd.s32 v17, v9;
	v11 =	vadd.s32 v43, v44;
	[tilespmem:$0x5B0] =	vst v46;
	v3 =	vor.u32 v5, v3  }
0x19f: {  	[tilespmem:$0x5C0] =	vst v47;
	v53 =	vadd.s32 v45, v11;
	v4 =	vadd.s32 v10, v50;
	v54 =	vperm.xlane v3, v0  }
0x1a0: {  	[tilespmem:$0x5D0] =	vst v53;
	v4 =	vadd.s32 v48, v4;
	v5 =	vadd.s32 v51, v52  }
0x1a1: {  	p3 =	seq.s32 s29, $0x5;
	[tilespmem:$0x5E0] =	vst v4;
	v55 =	vadd.s32 v49, v5;
	v3 =	vperm.xlane v3, v2;
	v56 =	vadd.s32 v1, v54  }
0x1a2: {  	s18 =	simm.s32 @!p3 $0x9;
	[tilespmem:$0x5F0] =	vst v55  }
0x1a3: {  	_ =	swait.ge @!p3 [sflag:s18], $0x8000;
	v3 =	vadd.s32 v1, v3  }
0x1a4: {  	[sflag:s18] =	ssyncset.done @!p3 $0x0  }
0x1a5: {  	s21 =	simm.s32 $0x10600;
	[sflag:s18] =	ssyncadd.s32 @!p3 $0xFFFF8000  }
0x1a6: {  	[tilespmem:s21], [sflag:$0x6] =	stream.indirect_vreg.gather [hbm4b:s1+s4], $0x80, v56, vm0, $0xb8;
	[tilespmem:$0x18600] =	vst v63  }
0x1a7: {  	_ = 	snop  }
0x1a8: {  	[tilespmem:s22], [sflag:$0x6] =	stream.indirect_vreg.gather [hbm4b:s1+s4], $0x80, v3, vm0, $0xb8;
	[tilespmem:$0x18600] =	vst v63  }
0x1a9: {  	v3 =	vld [tilespmem:$0x590];
	_ =	sdelay $0x4  }
0x1aa: {  	v57 =	vshll.u32 v3, $0x1  }
0x1ab: {  	v3 =	vand.u32 $0x7, v3;
	v4 =	vand.u32 $0xFFFFFFF0, v57  }
0x1ac: {  	v3 =	vor.u32 v3, v4  }
0x1ad: {  	v4 =	vperm.xlane v3, v0;
	_ =	sdelay $0x1  }
0x1ae: {  	v3 =	vperm.xlane v3, v2;
	v4 =	vadd.s32 v1, v4;
	_ =	sdelay $0x1  }
0x1af: {  	v3 =	vadd.s32 v1, v3;
	_ =	sdelay $0x2  }
0x1b0: {  	[tilespmem:s23], [sflag:$0x6] =	stream.indirect_vreg.gather [hbm4b:s1+s4], $0x80, v4, vm0, $0xb8;
	[tilespmem:$0x18600] =	vst v63  }
0x1b1: {  	_ = 	snop  }
0x1b2: {  	[tilespmem:s24], [sflag:$0x6] =	stream.indirect_vreg.gather [hbm4b:s1+s4], $0x80, v3, vm0, $0xb8;
	[tilespmem:$0x18600] =	vst v63  }
0x1b3: {  	v3 =	vld [tilespmem:$0x5A0];
	_ =	sdelay $0x4  }
0x1b4: {  	v58 =	vshll.u32 v3, $0x1  }
0x1b5: {  	v3 =	vand.u32 $0x7, v3;
	v4 =	vand.u32 $0xFFFFFFF0, v58  }
0x1b6: {  	v3 =	vor.u32 v3, v4  }
0x1b7: {  	v4 =	vperm.xlane v3, v0;
	_ =	sdelay $0x1  }
0x1b8: {  	v3 =	vperm.xlane v3, v2;
	v4 =	vadd.s32 v1, v4;
	_ =	sdelay $0x1  }
0x1b9: {  	v3 =	vadd.s32 v1, v3;
	_ =	sdelay $0x2  }
0x1ba: {  	[tilespmem:s25], [sflag:$0x6] =	stream.indirect_vreg.gather [hbm4b:s1+s4], $0x80, v4, vm0, $0xb8;
	[tilespmem:$0x18600] =	vst v63  }
0x1bb: {  	_ = 	snop  }
0x1bc: {  	[tilespmem:s8], [sflag:$0x6] =	stream.indirect_vreg.gather [hbm4b:s1+s4], $0x80, v3, vm0, $0xb8;
	[tilespmem:$0x18600] =	vst v63  }
0x1bd: {  	v3 =	vld [tilespmem:$0x5B0];
	_ =	sdelay $0x4  }
0x1be: {  	v59 =	vshll.u32 v3, $0x1  }
0x1bf: {  	v3 =	vand.u32 $0x7, v3;
	v4 =	vand.u32 $0xFFFFFFF0, v59  }
0x1c0: {  	v3 =	vor.u32 v3, v4  }
0x1c1: {  	v4 =	vperm.xlane v3, v0;
	_ =	sdelay $0x1  }
0x1c2: {  	v3 =	vperm.xlane v3, v2;
	v4 =	vadd.s32 v1, v4;
	_ =	sdelay $0x1  }
0x1c3: {  	v3 =	vadd.s32 v1, v3;
	_ =	sdelay $0x2  }
0x1c4: {  	[tilespmem:s9], [sflag:$0x6] =	stream.indirect_vreg.gather [hbm4b:s1+s4], $0x80, v4, vm0, $0xb8;
	[tilespmem:$0x18600] =	vst v63  }
0x1c5: {  	_ = 	snop  }
0x1c6: {  	[tilespmem:s11], [sflag:$0x6] =	stream.indirect_vreg.gather [hbm4b:s1+s4], $0x80, v3, vm0, $0xb8;
	[tilespmem:$0x18600] =	vst v63  }
0x1c7: {  	v3 =	vld [tilespmem:$0x5C0];
	_ =	sdelay $0x4  }
0x1c8: {  	v60 =	vshll.u32 v3, $0x1  }
0x1c9: {  	v3 =	vand.u32 $0x7, v3;
	v4 =	vand.u32 $0xFFFFFFF0, v60  }
0x1ca: {  	v3 =	vor.u32 v3, v4  }
0x1cb: {  	v4 =	vperm.xlane v3, v0;
	_ =	sdelay $0x1  }
0x1cc: {  	v3 =	vperm.xlane v3, v2;
	v4 =	vadd.s32 v1, v4;
	_ =	sdelay $0x1  }
0x1cd: {  	v3 =	vadd.s32 v1, v3;
	_ =	sdelay $0x2  }
0x1ce: {  	[tilespmem:s12], [sflag:$0x6] =	stream.indirect_vreg.gather [hbm4b:s1+s4], $0x80, v4, vm0, $0xb8;
	[tilespmem:$0x18600] =	vst v63  }
0x1cf: {  	_ = 	snop  }
0x1d0: {  	[tilespmem:s13], [sflag:$0x6] =	stream.indirect_vreg.gather [hbm4b:s1+s4], $0x80, v3, vm0, $0xb8;
	[tilespmem:$0x18600] =	vst v63  }
0x1d1: {  	v3 =	vld [tilespmem:$0x5D0];
	_ =	sdelay $0x4  }
0x1d2: {  	v61 =	vshll.u32 v3, $0x1  }
0x1d3: {  	v3 =	vand.u32 $0x7, v3;
	v4 =	vand.u32 $0xFFFFFFF0, v61  }
0x1d4: {  	v3 =	vor.u32 v3, v4  }
0x1d5: {  	v4 =	vperm.xlane v3, v0;
	_ =	sdelay $0x1  }
0x1d6: {  	v3 =	vperm.xlane v3, v2;
	v4 =	vadd.s32 v1, v4;
	_ =	sdelay $0x1  }
0x1d7: {  	v3 =	vadd.s32 v1, v3;
	_ =	sdelay $0x2  }
0x1d8: {  	[tilespmem:s14], [sflag:$0x6] =	stream.indirect_vreg.gather [hbm4b:s1+s4], $0x80, v4, vm0, $0xb8;
	[tilespmem:$0x18600] =	vst v63  }
0x1d9: {  	_ = 	snop  }
0x1da: {  	[tilespmem:s15], [sflag:$0x6] =	stream.indirect_vreg.gather [hbm4b:s1+s4], $0x80, v3, vm0, $0xb8;
	[tilespmem:$0x18600] =	vst v63  }
0x1db: {  	v3 =	vld [tilespmem:$0x5E0];
	_ =	sdelay $0x4  }
0x1dc: {  	v62 =	vshll.u32 v3, $0x1  }
0x1dd: {  	v3 =	vand.u32 $0x7, v3;
	v4 =	vand.u32 $0xFFFFFFF0, v62  }
0x1de: {  	v3 =	vor.u32 v3, v4  }
0x1df: {  	v4 =	vperm.xlane v3, v0;
	_ =	sdelay $0x1  }
0x1e0: {  	v3 =	vperm.xlane v3, v2;
	v4 =	vadd.s32 v1, v4;
	_ =	sdelay $0x1  }
0x1e1: {  	v3 =	vadd.s32 v1, v3;
	_ =	sdelay $0x2  }
0x1e2: {  	[tilespmem:s16], [sflag:$0x6] =	stream.indirect_vreg.gather [hbm4b:s1+s4], $0x80, v4, vm0, $0xb8;
	[tilespmem:$0x18600] =	vst v63  }
0x1e3: {  	_ = 	snop  }
0x1e4: {  	[tilespmem:s17], [sflag:$0x6] =	stream.indirect_vreg.gather [hbm4b:s1+s4], $0x80, v3, vm0, $0xb8;
	[tilespmem:$0x18600] =	vst v63  }
0x1e5: {  	v3 =	vld [tilespmem:$0x5F0];
	_ =	sdelay $0x4  }
0x1e6: {  	v63 =	vshll.u32 v3, $0x1  }
0x1e7: {  	v3 =	vand.u32 $0x7, v3;
	v4 =	vand.u32 $0xFFFFFFF0, v63  }
0x1e8: {  	v3 =	vor.u32 v3, v4  }
0x1e9: {  	v4 =	vperm.xlane v3, v0;
	_ =	sdelay $0x1  }
0x1ea: {  	v3 =	vperm.xlane v3, v2;
	v4 =	vadd.s32 v1, v4;
	_ =	sdelay $0x1  }
0x1eb: {  	v3 =	vadd.s32 v1, v3  }
.Ltmp7:
0x1ec: {  	_ = 	snop;
	(pc) =	sbr.rel .LBB2_8-.Ltmp7, $4  }
0x1ed: {  	_ = 	snop  }
0x1ee: {  	[tilespmem:s7], [sflag:$0x6] =	stream.indirect_vreg.gather [hbm4b:s1+s4], $0x80, v4, vm0, $0xb8;
	[tilespmem:$0x18600] =	vst v63  }
0x1ef: {  	_ = 	snop  }
0x1f0: {  	[tilespmem:s28], [sflag:$0x6] =	stream.indirect_vreg.gather [hbm4b:s1+s4], $0x80, v3, vm0, $0xb8;
	[tilespmem:$0x18600] =	vst v63  }
.LBB2_10:
0x1f1: {  	_ =	sfence.sel $0x180000  }
0x1f2: {  	[bflag:$0x0] =	sbarrier.arrive $0xFFFF  }
0x1f3: {  	_ =	strace $0x90000047  }
0x1f4: {  	s0 =	stileid.u32;
	[bflag:$0x2] =	sbarrier.arrive $0xFFFF  }
0x1f5: {  	p0 =	sne.s32 s0, $0x0;
	s0 =	rddreg [dreg:$0x3]  }
0x1f6: {  	s0 =	sadd.s32 @!p0 $0x100000, s0  }
0x1f7: {  	[sflag:s0] =	ssyncadd.tile.s32 @!p0 $0x1;
	_ =	shalt  }
.Lfunc_end2:
_tile_overlayer_lowered:
.L_overlay_start_2:
0x1f8: {  	(tag) =	ssettag $0x2  }
0x1f9: {  	s0 =	rddreg [dreg:$0x0];
	s2 =	stileid.u32  }
0x1fa: {  	s1 =	rddreg [dreg:$0x1];
	p0 =	sne.s32 s2, $0x0  }
0x1fb: {  	s3 =	rddreg [dreg:$0x2];
	[bflag:$0x3] =	sbarrier.arrive $0xFFFF;
	s2 =	simm.s32 @!p0 $0x1C0A  }
0x1fc: {  	[timem:s3], [sflag:s2] =	dma.local @!p0 [hbm:s0], s1  }
0x1fd: {  	s0 =	simm.s32 @!p0 $0xA  }
0x1fe: {  	_ =	swait.ge @!p0 [sflag:s0], s1  }
0x1ff: {  	s1 =	ssub.s32 @!p0 $0x0, s1;
	[sflag:s0] =	ssyncset.done @!p0 $0x0  }
0x200: {  	[sflag:s0] =	ssyncadd.s32 @!p0 s1  }
0x201: {  	[bflag:$0x3] =	sbarrier.arrive $0xFFFF  }
0x202: {  	_ =	shalt  }

</sc_bundles>
